<compile_context>
chip_gen: v7x
topology: tpu7x:2x2x1
jax: 0.10.2.dev20260603
libtpu: 0.0.44.dev20260713+nightly
codegen_flags: <defaults>
</compile_context>

<pallas_src>
import jax
import jax.numpy as jnp
from jax import lax
from jax.experimental import pallas as pl
from jax.experimental.pallas import tpu as pltpu
from jax.experimental.pallas import tpu_sc as plsc

VOCAB = 100000
EMBED = 50
EMBED_P = 56
BATCH = 4096
SEQ = 50

NUM_CORES = 2
NUM_SUBCORES = 16
NUM_WORKERS = NUM_CORES * NUM_SUBCORES

BPT = BATCH // NUM_WORKERS
G = 8
NGROUPS = BPT // G


def _gather_body(idx_hbm, table_hbm, out_hbm, idx_v, buf,
                 sem_g0, sem_g1, sem_o0, sem_o1):
    cid = lax.axis_index("c")
    sid = lax.axis_index("s")
    wid = sid * NUM_CORES + cid
    b0 = wid * BPT
    sem_g = (sem_g0, sem_g1)
    sem_o = (sem_o0, sem_o1)

    pltpu.sync_copy(idx_hbm.at[pl.ds(b0, BPT), :], idx_v)

    def fire(g, p):
        for k in range(G):
            pltpu.async_copy(
                table_hbm.at[idx_v.at[g * G + k, :]],
                buf.at[p, k],
                sem_g[p],
            )

    def drain(p):
        for k in range(G):
            pltpu.make_async_copy(
                table_hbm.at[idx_v.at[k, :]],
                buf.at[p, k],
                sem_g[p],
            ).wait()

    def writeout(g, p):
        pltpu.async_copy(
            buf.at[p], out_hbm.at[pl.ds(b0 + g * G, G), :, :], sem_o[p]
        )

    def waitout(g, p):
        pltpu.make_async_copy(
            buf.at[p], out_hbm.at[pl.ds(b0 + g * G, G), :, :], sem_o[p]
        ).wait()

    fire(0, 0)

    def step(i):
        g0 = 2 * i
        g1 = 2 * i + 1

        @pl.when(g1 < NGROUPS)
        def _():
            fire(g1, 1)
        drain(0)
        writeout(g0, 0)

        @pl.when(g1 < NGROUPS)
        def _():
            drain(1)
            waitout(g0, 0)

            @pl.when(g1 + 1 < NGROUPS)
            def _():
                fire(g1 + 1, 0)
            writeout(g1, 1)
            waitout(g1, 1)

        @pl.when(g1 >= NGROUPS)
        def _():
            waitout(g0, 0)

    pl.loop(0, (NGROUPS + 1) // 2)(step)


@jax.jit
def _run(idx, table_p):
    kern = pl.kernel(
        _gather_body,
        out_type=jax.ShapeDtypeStruct((BATCH, SEQ, EMBED_P), jnp.float32),
        mesh=plsc.VectorSubcoreMesh(core_axis_name="c", subcore_axis_name="s"),
        scratch_types=[
            pltpu.VMEM((BPT, SEQ), jnp.int32),
            pltpu.VMEM((2, G, SEQ, EMBED_P), jnp.float32),
            pltpu.SemaphoreType.DMA,
            pltpu.SemaphoreType.DMA,
            pltpu.SemaphoreType.DMA,
            pltpu.SemaphoreType.DMA,
        ],
        compiler_params=pltpu.CompilerParams(use_tc_tiling_on_sc=False),
    )
    return kern(idx, table_p)


def kernel(indices, table):
    idx = indices.astype(jnp.int32)
    table_p = jnp.pad(table, ((0, 0), (0, EMBED_P - EMBED)))
    out = _run(idx, table_p)
    return out[:, :, :EMBED]

# --- scband reference (transcript-rebuilt; emitter-appended) ---
"""Pipeline reference for scband-rnn-edge-34711925686866 (READ-ONLY COPY).

The authoritative reference and input builder live on the scoring server;
editing this copy changes nothing except your own understanding.
"""

import jax, jax.numpy as jnp
import numpy as np

VOCAB = 100000
EMBED = 50
BATCH = 4096
SEQ = 50

def setup_inputs(seed: int = 0) -> dict:
    key = jax.random.key(seed)
    k1, k2 = jax.random.split(key)
    indices = jax.random.randint(k1, (BATCH, SEQ), 0, VOCAB, dtype=jnp.int64 if jax.config.jax_enable_x64 else jnp.int32)
    table = jax.random.normal(k2, (VOCAB, EMBED), dtype=jnp.float32) * 0.05
    return {"indices": indices, "table": table}

def reference(indices, table):
    # Faithful translation of tf.keras.layers.Embedding lookup:
    # out[b, t, :] = table[indices[b, t], :]
    return jnp.take(table, indices, axis=0)

if __name__ == "__main__":
    import jax
    _d = setup_inputs()
    print(jax.jit(kernel)(*tuple(_d.values())))

</pallas_src>

<mosaic_0001>
#map = affine_map<(d0, d1) -> (0, 0)>
#map1 = affine_map<(d0, d1) -> (0, 0, 0)>
module attributes {stable_mosaic.version = 14 : i64} {
  func.func @_gather_body(%arg0: i32, %arg1: i32, %arg2: memref<4096x50xi32, #tpu.memory_space<hbm>>, %arg3: memref<100000x56xf32, #tpu.memory_space<hbm>>, %arg4: memref<4096x50x56xf32, #tpu.memory_space<hbm>>, %arg5: memref<128x50xi32, #tpu.memory_space<vmem>>, %arg6: memref<2x8x50x56xf32, #tpu.memory_space<vmem>>, %arg7: memref<!tpu.dma_semaphore, #tpu.memory_space<semaphore_mem>>, %arg8: memref<!tpu.dma_semaphore, #tpu.memory_space<semaphore_mem>>, %arg9: memref<!tpu.dma_semaphore, #tpu.memory_space<semaphore_mem>>, %arg10: memref<!tpu.dma_semaphore, #tpu.memory_space<semaphore_mem>>) attributes {dimension_semantics = [#tpu.dimension_semantics<core_parallel>, #tpu.dimension_semantics<subcore_parallel>], iteration_bounds = array<i64: 2, 16>, scalar_prefetch = 0 : i64, scratch_operands = 6 : i64, tpu.core_type = #tpu.core_type<sc_vector_subcore>, window_params = [{transform_indices = #map}, {transform_indices = #map}, {transform_indices = #map1}]} {
    %mul3A = arith.constant 2 : i32
    %mul3A_0 = arith.muli %arg1, %mul3A : i32
    %add3A = arith.addi %mul3A_0, %arg0 : i32
    %mul3A_1 = arith.constant 128 : i32
    %mul3A_2 = arith.muli %add3A, %mul3A_1 : i32
    "tpu.region"() ({
      %run_scoped3A = tpu.sem_alloc : memref<!tpu.dma_semaphore, #tpu.memory_space<semaphore_mem>>
      %dma_start3A_110 = arith.constant 0 : i32
      %dma_start3A_111 = tpu.memref_slice %arg2[%mul3A_2, %dma_start3A_110] : memref<4096x50xi32, #tpu.memory_space<hbm>> -> memref<128x50xi32, #tpu.memory_space<hbm>>
      %dma_start3A_112 = arith.constant 0 : i32
      %dma_start3A_113 = tpu.memref_slice %arg2[%mul3A_2, %dma_start3A_112] : memref<4096x50xi32, #tpu.memory_space<hbm>> -> memref<128x50xi32, #tpu.memory_space<hbm>>
      tpu.enqueue_dma source(%dma_start3A_113 : memref<128x50xi32, #tpu.memory_space<hbm>>) target(%arg5 : memref<128x50xi32, #tpu.memory_space<vmem>>) target_semaphore(%run_scoped3A : memref<!tpu.dma_semaphore, #tpu.memory_space<semaphore_mem>>)
      %dma_wait3A = arith.constant 0 : i32
      %dma_wait3A_114 = tpu.memref_slice %arg2[%mul3A_2, %dma_wait3A] : memref<4096x50xi32, #tpu.memory_space<hbm>> -> memref<128x50xi32, #tpu.memory_space<hbm>>
      %dma_wait3A_115 = arith.constant 0 : i32
      %dma_wait3A_116 = tpu.memref_slice %arg2[%mul3A_2, %dma_wait3A_115] : memref<4096x50xi32, #tpu.memory_space<hbm>> -> memref<128x50xi32, #tpu.memory_space<hbm>>
      tpu.wait_dma2 semaphore(%run_scoped3A : memref<!tpu.dma_semaphore, #tpu.memory_space<semaphore_mem>>) src(%dma_wait3A_116 : memref<128x50xi32, #tpu.memory_space<hbm>>) dst(%arg5 : memref<128x50xi32, #tpu.memory_space<vmem>>)
      tpu.yield
    }) : () -> ()
    %dma_start3A = arith.constant 0 : i32
    %dma_start3A_3 = arith.constant 0 : i32
    %dma_start3A_4 = arith.constant 0 : i32
    %dma_start3A_5 = arith.constant 0 : i32
    %dma_start3A_6 = arith.constant 0 : i32
    %dma_start3A_7 = tpu.memref_slice %arg6[%dma_start3A_3, %dma_start3A_4, %dma_start3A_5, %dma_start3A_6] : memref<2x8x50x56xf32, #tpu.memory_space<vmem>> -> memref<1x1x50x56xf32, #tpu.memory_space<vmem>>
    %dma_start3A_8 = tpu.memref_squeeze %dma_start3A_7 : memref<1x1x50x56xf32, #tpu.memory_space<vmem>> -> memref<50x56xf32, #tpu.memory_space<vmem>>
    %dma_start3A_9 = arith.constant 0 : i32
    %dma_start3A_10 = tpu.memref_slice %arg5[%dma_start3A, %dma_start3A_9] : memref<128x50xi32, #tpu.memory_space<vmem>> -> memref<1x50xi32, #tpu.memory_space<vmem>>
    %dma_start3A_11 = tpu.memref_squeeze %dma_start3A_10 : memref<1x50xi32, #tpu.memory_space<vmem>> -> memref<50xi32, #tpu.memory_space<vmem>>
    %dma_start3A_12 = arith.constant 0 : i32
    %dma_start3A_13 = arith.constant 0 : i32
    %dma_start3A_14 = tpu.memref_slice %arg3[%dma_start3A_12, %dma_start3A_13] : memref<100000x56xf32, #tpu.memory_space<hbm>> -> memref<100000x56xf32, #tpu.memory_space<hbm>>
    tpu.enqueue_indirect_dma source(%dma_start3A_14 : memref<100000x56xf32, #tpu.memory_space<hbm>>) target(%dma_start3A_8 : memref<50x56xf32, #tpu.memory_space<vmem>>) offsets(%dma_start3A_11 : memref<50xi32, #tpu.memory_space<vmem>>) semaphore(%arg7 : memref<!tpu.dma_semaphore, #tpu.memory_space<semaphore_mem>>)
    %dma_start3A_15 = arith.constant 1 : i32
    %dma_start3A_16 = arith.constant 0 : i32
    %dma_start3A_17 = arith.constant 1 : i32
    %dma_start3A_18 = arith.constant 0 : i32
    %dma_start3A_19 = arith.constant 0 : i32
    %dma_start3A_20 = tpu.memref_slice %arg6[%dma_start3A_16, %dma_start3A_17, %dma_start3A_18, %dma_start3A_19] : memref<2x8x50x56xf32, #tpu.memory_space<vmem>> -> memref<1x1x50x56xf32, #tpu.memory_space<vmem>>
    %dma_start3A_21 = tpu.memref_squeeze %dma_start3A_20 : memref<1x1x50x56xf32, #tpu.memory_space<vmem>> -> memref<50x56xf32, #tpu.memory_space<vmem>>
    %dma_start3A_22 = arith.constant 0 : i32
    %dma_start3A_23 = tpu.memref_slice %arg5[%dma_start3A_15, %dma_start3A_22] : memref<128x50xi32, #tpu.memory_space<vmem>> -> memref<1x50xi32, #tpu.memory_space<vmem>>
    %dma_start3A_24 = tpu.memref_squeeze %dma_start3A_23 : memref<1x50xi32, #tpu.memory_space<vmem>> -> memref<50xi32, #tpu.memory_space<vmem>>
    %dma_start3A_25 = arith.constant 0 : i32
    %dma_start3A_26 = arith.constant 0 : i32
    %dma_start3A_27 = tpu.memref_slice %arg3[%dma_start3A_25, %dma_start3A_26] : memref<100000x56xf32, #tpu.memory_space<hbm>> -> memref<100000x56xf32, #tpu.memory_space<hbm>>
    tpu.enqueue_indirect_dma source(%dma_start3A_27 : memref<100000x56xf32, #tpu.memory_space<hbm>>) target(%dma_start3A_21 : memref<50x56xf32, #tpu.memory_space<vmem>>) offsets(%dma_start3A_24 : memref<50xi32, #tpu.memory_space<vmem>>) semaphore(%arg7 : memref<!tpu.dma_semaphore, #tpu.memory_space<semaphore_mem>>)
    %dma_start3A_28 = arith.constant 2 : i32
    %dma_start3A_29 = arith.constant 0 : i32
    %dma_start3A_30 = arith.constant 2 : i32
    %dma_start3A_31 = arith.constant 0 : i32
    %dma_start3A_32 = arith.constant 0 : i32
    %dma_start3A_33 = tpu.memref_slice %arg6[%dma_start3A_29, %dma_start3A_30, %dma_start3A_31, %dma_start3A_32] : memref<2x8x50x56xf32, #tpu.memory_space<vmem>> -> memref<1x1x50x56xf32, #tpu.memory_space<vmem>>
    %dma_start3A_34 = tpu.memref_squeeze %dma_start3A_33 : memref<1x1x50x56xf32, #tpu.memory_space<vmem>> -> memref<50x56xf32, #tpu.memory_space<vmem>>
    %dma_start3A_35 = arith.constant 0 : i32
    %dma_start3A_36 = tpu.memref_slice %arg5[%dma_start3A_28, %dma_start3A_35] : memref<128x50xi32, #tpu.memory_space<vmem>> -> memref<1x50xi32, #tpu.memory_space<vmem>>
    %dma_start3A_37 = tpu.memref_squeeze %dma_start3A_36 : memref<1x50xi32, #tpu.memory_space<vmem>> -> memref<50xi32, #tpu.memory_space<vmem>>
    %dma_start3A_38 = arith.constant 0 : i32
    %dma_start3A_39 = arith.constant 0 : i32
    %dma_start3A_40 = tpu.memref_slice %arg3[%dma_start3A_38, %dma_start3A_39] : memref<100000x56xf32, #tpu.memory_space<hbm>> -> memref<100000x56xf32, #tpu.memory_space<hbm>>
    tpu.enqueue_indirect_dma source(%dma_start3A_40 : memref<100000x56xf32, #tpu.memory_space<hbm>>) target(%dma_start3A_34 : memref<50x56xf32, #tpu.memory_space<vmem>>) offsets(%dma_start3A_37 : memref<50xi32, #tpu.memory_space<vmem>>) semaphore(%arg7 : memref<!tpu.dma_semaphore, #tpu.memory_space<semaphore_mem>>)
    %dma_start3A_41 = arith.constant 3 : i32
    %dma_start3A_42 = arith.constant 0 : i32
    %dma_start3A_43 = arith.constant 3 : i32
    %dma_start3A_44 = arith.constant 0 : i32
    %dma_start3A_45 = arith.constant 0 : i32
    %dma_start3A_46 = tpu.memref_slice %arg6[%dma_start3A_42, %dma_start3A_43, %dma_start3A_44, %dma_start3A_45] : memref<2x8x50x56xf32, #tpu.memory_space<vmem>> -> memref<1x1x50x56xf32, #tpu.memory_space<vmem>>
    %dma_start3A_47 = tpu.memref_squeeze %dma_start3A_46 : memref<1x1x50x56xf32, #tpu.memory_space<vmem>> -> memref<50x56xf32, #tpu.memory_space<vmem>>
    %dma_start3A_48 = arith.constant 0 : i32
    %dma_start3A_49 = tpu.memref_slice %arg5[%dma_start3A_41, %dma_start3A_48] : memref<128x50xi32, #tpu.memory_space<vmem>> -> memref<1x50xi32, #tpu.memory_space<vmem>>
    %dma_start3A_50 = tpu.memref_squeeze %dma_start3A_49 : memref<1x50xi32, #tpu.memory_space<vmem>> -> memref<50xi32, #tpu.memory_space<vmem>>
    %dma_start3A_51 = arith.constant 0 : i32
    %dma_start3A_52 = arith.constant 0 : i32
    %dma_start3A_53 = tpu.memref_slice %arg3[%dma_start3A_51, %dma_start3A_52] : memref<100000x56xf32, #tpu.memory_space<hbm>> -> memref<100000x56xf32, #tpu.memory_space<hbm>>
    tpu.enqueue_indirect_dma source(%dma_start3A_53 : memref<100000x56xf32, #tpu.memory_space<hbm>>) target(%dma_start3A_47 : memref<50x56xf32, #tpu.memory_space<vmem>>) offsets(%dma_start3A_50 : memref<50xi32, #tpu.memory_space<vmem>>) semaphore(%arg7 : memref<!tpu.dma_semaphore, #tpu.memory_space<semaphore_mem>>)
    %dma_start3A_54 = arith.constant 4 : i32
    %dma_start3A_55 = arith.constant 0 : i32
    %dma_start3A_56 = arith.constant 4 : i32
    %dma_start3A_57 = arith.constant 0 : i32
    %dma_start3A_58 = arith.constant 0 : i32
    %dma_start3A_59 = tpu.memref_slice %arg6[%dma_start3A_55, %dma_start3A_56, %dma_start3A_57, %dma_start3A_58] : memref<2x8x50x56xf32, #tpu.memory_space<vmem>> -> memref<1x1x50x56xf32, #tpu.memory_space<vmem>>
    %dma_start3A_60 = tpu.memref_squeeze %dma_start3A_59 : memref<1x1x50x56xf32, #tpu.memory_space<vmem>> -> memref<50x56xf32, #tpu.memory_space<vmem>>
    %dma_start3A_61 = arith.constant 0 : i32
    %dma_start3A_62 = tpu.memref_slice %arg5[%dma_start3A_54, %dma_start3A_61] : memref<128x50xi32, #tpu.memory_space<vmem>> -> memref<1x50xi32, #tpu.memory_space<vmem>>
    %dma_start3A_63 = tpu.memref_squeeze %dma_start3A_62 : memref<1x50xi32, #tpu.memory_space<vmem>> -> memref<50xi32, #tpu.memory_space<vmem>>
    %dma_start3A_64 = arith.constant 0 : i32
    %dma_start3A_65 = arith.constant 0 : i32
    %dma_start3A_66 = tpu.memref_slice %arg3[%dma_start3A_64, %dma_start3A_65] : memref<100000x56xf32, #tpu.memory_space<hbm>> -> memref<100000x56xf32, #tpu.memory_space<hbm>>
    tpu.enqueue_indirect_dma source(%dma_start3A_66 : memref<100000x56xf32, #tpu.memory_space<hbm>>) target(%dma_start3A_60 : memref<50x56xf32, #tpu.memory_space<vmem>>) offsets(%dma_start3A_63 : memref<50xi32, #tpu.memory_space<vmem>>) semaphore(%arg7 : memref<!tpu.dma_semaphore, #tpu.memory_space<semaphore_mem>>)
    %dma_start3A_67 = arith.constant 5 : i32
    %dma_start3A_68 = arith.constant 0 : i32
    %dma_start3A_69 = arith.constant 5 : i32
    %dma_start3A_70 = arith.constant 0 : i32
    %dma_start3A_71 = arith.constant 0 : i32
    %dma_start3A_72 = tpu.memref_slice %arg6[%dma_start3A_68, %dma_start3A_69, %dma_start3A_70, %dma_start3A_71] : memref<2x8x50x56xf32, #tpu.memory_space<vmem>> -> memref<1x1x50x56xf32, #tpu.memory_space<vmem>>
    %dma_start3A_73 = tpu.memref_squeeze %dma_start3A_72 : memref<1x1x50x56xf32, #tpu.memory_space<vmem>> -> memref<50x56xf32, #tpu.memory_space<vmem>>
    %dma_start3A_74 = arith.constant 0 : i32
    %dma_start3A_75 = tpu.memref_slice %arg5[%dma_start3A_67, %dma_start3A_74] : memref<128x50xi32, #tpu.memory_space<vmem>> -> memref<1x50xi32, #tpu.memory_space<vmem>>
    %dma_start3A_76 = tpu.memref_squeeze %dma_start3A_75 : memref<1x50xi32, #tpu.memory_space<vmem>> -> memref<50xi32, #tpu.memory_space<vmem>>
    %dma_start3A_77 = arith.constant 0 : i32
    %dma_start3A_78 = arith.constant 0 : i32
    %dma_start3A_79 = tpu.memref_slice %arg3[%dma_start3A_77, %dma_start3A_78] : memref<100000x56xf32, #tpu.memory_space<hbm>> -> memref<100000x56xf32, #tpu.memory_space<hbm>>
    tpu.enqueue_indirect_dma source(%dma_start3A_79 : memref<100000x56xf32, #tpu.memory_space<hbm>>) target(%dma_start3A_73 : memref<50x56xf32, #tpu.memory_space<vmem>>) offsets(%dma_start3A_76 : memref<50xi32, #tpu.memory_space<vmem>>) semaphore(%arg7 : memref<!tpu.dma_semaphore, #tpu.memory_space<semaphore_mem>>)
    %dma_start3A_80 = arith.constant 6 : i32
    %dma_start3A_81 = arith.constant 0 : i32
    %dma_start3A_82 = arith.constant 6 : i32
    %dma_start3A_83 = arith.constant 0 : i32
    %dma_start3A_84 = arith.constant 0 : i32
    %dma_start3A_85 = tpu.memref_slice %arg6[%dma_start3A_81, %dma_start3A_82, %dma_start3A_83, %dma_start3A_84] : memref<2x8x50x56xf32, #tpu.memory_space<vmem>> -> memref<1x1x50x56xf32, #tpu.memory_space<vmem>>
    %dma_start3A_86 = tpu.memref_squeeze %dma_start3A_85 : memref<1x1x50x56xf32, #tpu.memory_space<vmem>> -> memref<50x56xf32, #tpu.memory_space<vmem>>
    %dma_start3A_87 = arith.constant 0 : i32
    %dma_start3A_88 = tpu.memref_slice %arg5[%dma_start3A_80, %dma_start3A_87] : memref<128x50xi32, #tpu.memory_space<vmem>> -> memref<1x50xi32, #tpu.memory_space<vmem>>
    %dma_start3A_89 = tpu.memref_squeeze %dma_start3A_88 : memref<1x50xi32, #tpu.memory_space<vmem>> -> memref<50xi32, #tpu.memory_space<vmem>>
    %dma_start3A_90 = arith.constant 0 : i32
    %dma_start3A_91 = arith.constant 0 : i32
    %dma_start3A_92 = tpu.memref_slice %arg3[%dma_start3A_90, %dma_start3A_91] : memref<100000x56xf32, #tpu.memory_space<hbm>> -> memref<100000x56xf32, #tpu.memory_space<hbm>>
    tpu.enqueue_indirect_dma source(%dma_start3A_92 : memref<100000x56xf32, #tpu.memory_space<hbm>>) target(%dma_start3A_86 : memref<50x56xf32, #tpu.memory_space<vmem>>) offsets(%dma_start3A_89 : memref<50xi32, #tpu.memory_space<vmem>>) semaphore(%arg7 : memref<!tpu.dma_semaphore, #tpu.memory_space<semaphore_mem>>)
    %dma_start3A_93 = arith.constant 7 : i32
    %dma_start3A_94 = arith.constant 0 : i32
    %dma_start3A_95 = arith.constant 7 : i32
    %dma_start3A_96 = arith.constant 0 : i32
    %dma_start3A_97 = arith.constant 0 : i32
    %dma_start3A_98 = tpu.memref_slice %arg6[%dma_start3A_94, %dma_start3A_95, %dma_start3A_96, %dma_start3A_97] : memref<2x8x50x56xf32, #tpu.memory_space<vmem>> -> memref<1x1x50x56xf32, #tpu.memory_space<vmem>>
    %dma_start3A_99 = tpu.memref_squeeze %dma_start3A_98 : memref<1x1x50x56xf32, #tpu.memory_space<vmem>> -> memref<50x56xf32, #tpu.memory_space<vmem>>
    %dma_start3A_100 = arith.constant 0 : i32
    %dma_start3A_101 = tpu.memref_slice %arg5[%dma_start3A_93, %dma_start3A_100] : memref<128x50xi32, #tpu.memory_space<vmem>> -> memref<1x50xi32, #tpu.memory_space<vmem>>
    %dma_start3A_102 = tpu.memref_squeeze %dma_start3A_101 : memref<1x50xi32, #tpu.memory_space<vmem>> -> memref<50xi32, #tpu.memory_space<vmem>>
    %dma_start3A_103 = arith.constant 0 : i32
    %dma_start3A_104 = arith.constant 0 : i32
    %dma_start3A_105 = tpu.memref_slice %arg3[%dma_start3A_103, %dma_start3A_104] : memref<100000x56xf32, #tpu.memory_space<hbm>> -> memref<100000x56xf32, #tpu.memory_space<hbm>>
    tpu.enqueue_indirect_dma source(%dma_start3A_105 : memref<100000x56xf32, #tpu.memory_space<hbm>>) target(%dma_start3A_99 : memref<50x56xf32, #tpu.memory_space<vmem>>) offsets(%dma_start3A_102 : memref<50xi32, #tpu.memory_space<vmem>>) semaphore(%arg7 : memref<!tpu.dma_semaphore, #tpu.memory_space<semaphore_mem>>)
    %scan3A = arith.constant 0 : i32
    %scan3A_106 = arith.constant 8 : i32
    %scan3A_107 = arith.addi %scan3A, %scan3A_106 : i32
    %scan3A_108 = arith.constant 1 : i32
    scf.for %scan3A_110 = %scan3A to %scan3A_107 step %scan3A_108  : i32 {
      %mul3A_111 = arith.constant 1 : i32
      %mul3A_112 = arith.muli %scan3A_110, %mul3A_111 : i32
      %add3A_113 = arith.constant 0 : i32
      %add3A_114 = arith.addi %add3A_113, %mul3A_112 : i32
      %mul3A_115 = arith.constant 2 : i32
      %mul3A_116 = arith.muli %mul3A_115, %add3A_114 : i32
      %mul3A_117 = arith.constant 2 : i32
      %mul3A_118 = arith.muli %mul3A_117, %add3A_114 : i32
      %add3A_119 = arith.constant 1 : i32
      %add3A_120 = arith.addi %mul3A_118, %add3A_119 : i32
      %lt3A = arith.constant 16 : i32
      %lt3A_121 = arith.cmpi slt, %add3A_120, %lt3A : i32
      %convert_element_type3A = arith.extui %lt3A_121 : i1 to i32
      %cond3A = arith.constant 0 : i32
      %cond3A_122 = arith.cmpi ne, %convert_element_type3A, %cond3A : i32
      scf.if %cond3A_122 {
        %mul3A_255 = arith.constant 8 : i32
        %mul3A_256 = arith.muli %add3A_120, %mul3A_255 : i32
        %add3A_257 = arith.constant 0 : i32
        %add3A_258 = arith.addi %mul3A_256, %add3A_257 : i32
        %dma_start3A_259 = arith.constant 1 : i32
        %dma_start3A_260 = arith.constant 0 : i32
        %dma_start3A_261 = arith.constant 0 : i32
        %dma_start3A_262 = arith.constant 0 : i32
        %dma_start3A_263 = tpu.memref_slice %arg6[%dma_start3A_259, %dma_start3A_260, %dma_start3A_261, %dma_start3A_262] : memref<2x8x50x56xf32, #tpu.memory_space<vmem>> -> memref<1x1x50x56xf32, #tpu.memory_space<vmem>>
        %dma_start3A_264 = tpu.memref_squeeze %dma_start3A_263 : memref<1x1x50x56xf32, #tpu.memory_space<vmem>> -> memref<50x56xf32, #tpu.memory_space<vmem>>
        %dma_start3A_265 = arith.constant 0 : i32
        %dma_start3A_266 = tpu.memref_slice %arg5[%add3A_258, %dma_start3A_265] : memref<128x50xi32, #tpu.memory_space<vmem>> -> memref<1x50xi32, #tpu.memory_space<vmem>>
        %dma_start3A_267 = tpu.memref_squeeze %dma_start3A_266 : memref<1x50xi32, #tpu.memory_space<vmem>> -> memref<50xi32, #tpu.memory_space<vmem>>
        %dma_start3A_268 = arith.constant 0 : i32
        %dma_start3A_269 = arith.constant 0 : i32
        %dma_start3A_270 = tpu.memref_slice %arg3[%dma_start3A_268, %dma_start3A_269] : memref<100000x56xf32, #tpu.memory_space<hbm>> -> memref<100000x56xf32, #tpu.memory_space<hbm>>
        tpu.enqueue_indirect_dma source(%dma_start3A_270 : memref<100000x56xf32, #tpu.memory_space<hbm>>) target(%dma_start3A_264 : memref<50x56xf32, #tpu.memory_space<vmem>>) offsets(%dma_start3A_267 : memref<50xi32, #tpu.memory_space<vmem>>) semaphore(%arg8 : memref<!tpu.dma_semaphore, #tpu.memory_space<semaphore_mem>>)
        %mul3A_271 = arith.constant 8 : i32
        %mul3A_272 = arith.muli %add3A_120, %mul3A_271 : i32
        %add3A_273 = arith.constant 1 : i32
        %add3A_274 = arith.addi %mul3A_272, %add3A_273 : i32
        %dma_start3A_275 = arith.constant 1 : i32
        %dma_start3A_276 = arith.constant 1 : i32
        %dma_start3A_277 = arith.constant 0 : i32
        %dma_start3A_278 = arith.constant 0 : i32
        %dma_start3A_279 = tpu.memref_slice %arg6[%dma_start3A_275, %dma_start3A_276, %dma_start3A_277, %dma_start3A_278] : memref<2x8x50x56xf32, #tpu.memory_space<vmem>> -> memref<1x1x50x56xf32, #tpu.memory_space<vmem>>
        %dma_start3A_280 = tpu.memref_squeeze %dma_start3A_279 : memref<1x1x50x56xf32, #tpu.memory_space<vmem>> -> memref<50x56xf32, #tpu.memory_space<vmem>>
        %dma_start3A_281 = arith.constant 0 : i32
        %dma_start3A_282 = tpu.memref_slice %arg5[%add3A_274, %dma_start3A_281] : memref<128x50xi32, #tpu.memory_space<vmem>> -> memref<1x50xi32, #tpu.memory_space<vmem>>
        %dma_start3A_283 = tpu.memref_squeeze %dma_start3A_282 : memref<1x50xi32, #tpu.memory_space<vmem>> -> memref<50xi32, #tpu.memory_space<vmem>>
        %dma_start3A_284 = arith.constant 0 : i32
        %dma_start3A_285 = arith.constant 0 : i32
        %dma_start3A_286 = tpu.memref_slice %arg3[%dma_start3A_284, %dma_start3A_285] : memref<100000x56xf32, #tpu.memory_space<hbm>> -> memref<100000x56xf32, #tpu.memory_space<hbm>>
        tpu.enqueue_indirect_dma source(%dma_start3A_286 : memref<100000x56xf32, #tpu.memory_space<hbm>>) target(%dma_start3A_280 : memref<50x56xf32, #tpu.memory_space<vmem>>) offsets(%dma_start3A_283 : memref<50xi32, #tpu.memory_space<vmem>>) semaphore(%arg8 : memref<!tpu.dma_semaphore, #tpu.memory_space<semaphore_mem>>)
        %mul3A_287 = arith.constant 8 : i32
        %mul3A_288 = arith.muli %add3A_120, %mul3A_287 : i32
        %add3A_289 = arith.constant 2 : i32
        %add3A_290 = arith.addi %mul3A_288, %add3A_289 : i32
        %dma_start3A_291 = arith.constant 1 : i32
        %dma_start3A_292 = arith.constant 2 : i32
        %dma_start3A_293 = arith.constant 0 : i32
        %dma_start3A_294 = arith.constant 0 : i32
        %dma_start3A_295 = tpu.memref_slice %arg6[%dma_start3A_291, %dma_start3A_292, %dma_start3A_293, %dma_start3A_294] : memref<2x8x50x56xf32, #tpu.memory_space<vmem>> -> memref<1x1x50x56xf32, #tpu.memory_space<vmem>>
        %dma_start3A_296 = tpu.memref_squeeze %dma_start3A_295 : memref<1x1x50x56xf32, #tpu.memory_space<vmem>> -> memref<50x56xf32, #tpu.memory_space<vmem>>
        %dma_start3A_297 = arith.constant 0 : i32
        %dma_start3A_298 = tpu.memref_slice %arg5[%add3A_290, %dma_start3A_297] : memref<128x50xi32, #tpu.memory_space<vmem>> -> memref<1x50xi32, #tpu.memory_space<vmem>>
        %dma_start3A_299 = tpu.memref_squeeze %dma_start3A_298 : memref<1x50xi32, #tpu.memory_space<vmem>> -> memref<50xi32, #tpu.memory_space<vmem>>
        %dma_start3A_300 = arith.constant 0 : i32
        %dma_start3A_301 = arith.constant 0 : i32
        %dma_start3A_302 = tpu.memref_slice %arg3[%dma_start3A_300, %dma_start3A_301] : memref<100000x56xf32, #tpu.memory_space<hbm>> -> memref<100000x56xf32, #tpu.memory_space<hbm>>
        tpu.enqueue_indirect_dma source(%dma_start3A_302 : memref<100000x56xf32, #tpu.memory_space<hbm>>) target(%dma_start3A_296 : memref<50x56xf32, #tpu.memory_space<vmem>>) offsets(%dma_start3A_299 : memref<50xi32, #tpu.memory_space<vmem>>) semaphore(%arg8 : memref<!tpu.dma_semaphore, #tpu.memory_space<semaphore_mem>>)
        %mul3A_303 = arith.constant 8 : i32
        %mul3A_304 = arith.muli %add3A_120, %mul3A_303 : i32
        %add3A_305 = arith.constant 3 : i32
        %add3A_306 = arith.addi %mul3A_304, %add3A_305 : i32
        %dma_start3A_307 = arith.constant 1 : i32
        %dma_start3A_308 = arith.constant 3 : i32
        %dma_start3A_309 = arith.constant 0 : i32
        %dma_start3A_310 = arith.constant 0 : i32
        %dma_start3A_311 = tpu.memref_slice %arg6[%dma_start3A_307, %dma_start3A_308, %dma_start3A_309, %dma_start3A_310] : memref<2x8x50x56xf32, #tpu.memory_space<vmem>> -> memref<1x1x50x56xf32, #tpu.memory_space<vmem>>
        %dma_start3A_312 = tpu.memref_squeeze %dma_start3A_311 : memref<1x1x50x56xf32, #tpu.memory_space<vmem>> -> memref<50x56xf32, #tpu.memory_space<vmem>>
        %dma_start3A_313 = arith.constant 0 : i32
        %dma_start3A_314 = tpu.memref_slice %arg5[%add3A_306, %dma_start3A_313] : memref<128x50xi32, #tpu.memory_space<vmem>> -> memref<1x50xi32, #tpu.memory_space<vmem>>
        %dma_start3A_315 = tpu.memref_squeeze %dma_start3A_314 : memref<1x50xi32, #tpu.memory_space<vmem>> -> memref<50xi32, #tpu.memory_space<vmem>>
        %dma_start3A_316 = arith.constant 0 : i32
        %dma_start3A_317 = arith.constant 0 : i32
        %dma_start3A_318 = tpu.memref_slice %arg3[%dma_start3A_316, %dma_start3A_317] : memref<100000x56xf32, #tpu.memory_space<hbm>> -> memref<100000x56xf32, #tpu.memory_space<hbm>>
        tpu.enqueue_indirect_dma source(%dma_start3A_318 : memref<100000x56xf32, #tpu.memory_space<hbm>>) target(%dma_start3A_312 : memref<50x56xf32, #tpu.memory_space<vmem>>) offsets(%dma_start3A_315 : memref<50xi32, #tpu.memory_space<vmem>>) semaphore(%arg8 : memref<!tpu.dma_semaphore, #tpu.memory_space<semaphore_mem>>)
        %mul3A_319 = arith.constant 8 : i32
        %mul3A_320 = arith.muli %add3A_120, %mul3A_319 : i32
        %add3A_321 = arith.constant 4 : i32
        %add3A_322 = arith.addi %mul3A_320, %add3A_321 : i32
        %dma_start3A_323 = arith.constant 1 : i32
        %dma_start3A_324 = arith.constant 4 : i32
        %dma_start3A_325 = arith.constant 0 : i32
        %dma_start3A_326 = arith.constant 0 : i32
        %dma_start3A_327 = tpu.memref_slice %arg6[%dma_start3A_323, %dma_start3A_324, %dma_start3A_325, %dma_start3A_326] : memref<2x8x50x56xf32, #tpu.memory_space<vmem>> -> memref<1x1x50x56xf32, #tpu.memory_space<vmem>>
        %dma_start3A_328 = tpu.memref_squeeze %dma_start3A_327 : memref<1x1x50x56xf32, #tpu.memory_space<vmem>> -> memref<50x56xf32, #tpu.memory_space<vmem>>
        %dma_start3A_329 = arith.constant 0 : i32
        %dma_start3A_330 = tpu.memref_slice %arg5[%add3A_322, %dma_start3A_329] : memref<128x50xi32, #tpu.memory_space<vmem>> -> memref<1x50xi32, #tpu.memory_space<vmem>>
        %dma_start3A_331 = tpu.memref_squeeze %dma_start3A_330 : memref<1x50xi32, #tpu.memory_space<vmem>> -> memref<50xi32, #tpu.memory_space<vmem>>
        %dma_start3A_332 = arith.constant 0 : i32
        %dma_start3A_333 = arith.constant 0 : i32
        %dma_start3A_334 = tpu.memref_slice %arg3[%dma_start3A_332, %dma_start3A_333] : memref<100000x56xf32, #tpu.memory_space<hbm>> -> memref<100000x56xf32, #tpu.memory_space<hbm>>
        tpu.enqueue_indirect_dma source(%dma_start3A_334 : memref<100000x56xf32, #tpu.memory_space<hbm>>) target(%dma_start3A_328 : memref<50x56xf32, #tpu.memory_space<vmem>>) offsets(%dma_start3A_331 : memref<50xi32, #tpu.memory_space<vmem>>) semaphore(%arg8 : memref<!tpu.dma_semaphore, #tpu.memory_space<semaphore_mem>>)
        %mul3A_335 = arith.constant 8 : i32
        %mul3A_336 = arith.muli %add3A_120, %mul3A_335 : i32
        %add3A_337 = arith.constant 5 : i32
        %add3A_338 = arith.addi %mul3A_336, %add3A_337 : i32
        %dma_start3A_339 = arith.constant 1 : i32
        %dma_start3A_340 = arith.constant 5 : i32
        %dma_start3A_341 = arith.constant 0 : i32
        %dma_start3A_342 = arith.constant 0 : i32
        %dma_start3A_343 = tpu.memref_slice %arg6[%dma_start3A_339, %dma_start3A_340, %dma_start3A_341, %dma_start3A_342] : memref<2x8x50x56xf32, #tpu.memory_space<vmem>> -> memref<1x1x50x56xf32, #tpu.memory_space<vmem>>
        %dma_start3A_344 = tpu.memref_squeeze %dma_start3A_343 : memref<1x1x50x56xf32, #tpu.memory_space<vmem>> -> memref<50x56xf32, #tpu.memory_space<vmem>>
        %dma_start3A_345 = arith.constant 0 : i32
        %dma_start3A_346 = tpu.memref_slice %arg5[%add3A_338, %dma_start3A_345] : memref<128x50xi32, #tpu.memory_space<vmem>> -> memref<1x50xi32, #tpu.memory_space<vmem>>
        %dma_start3A_347 = tpu.memref_squeeze %dma_start3A_346 : memref<1x50xi32, #tpu.memory_space<vmem>> -> memref<50xi32, #tpu.memory_space<vmem>>
        %dma_start3A_348 = arith.constant 0 : i32
        %dma_start3A_349 = arith.constant 0 : i32
        %dma_start3A_350 = tpu.memref_slice %arg3[%dma_start3A_348, %dma_start3A_349] : memref<100000x56xf32, #tpu.memory_space<hbm>> -> memref<100000x56xf32, #tpu.memory_space<hbm>>
        tpu.enqueue_indirect_dma source(%dma_start3A_350 : memref<100000x56xf32, #tpu.memory_space<hbm>>) target(%dma_start3A_344 : memref<50x56xf32, #tpu.memory_space<vmem>>) offsets(%dma_start3A_347 : memref<50xi32, #tpu.memory_space<vmem>>) semaphore(%arg8 : memref<!tpu.dma_semaphore, #tpu.memory_space<semaphore_mem>>)
        %mul3A_351 = arith.constant 8 : i32
        %mul3A_352 = arith.muli %add3A_120, %mul3A_351 : i32
        %add3A_353 = arith.constant 6 : i32
        %add3A_354 = arith.addi %mul3A_352, %add3A_353 : i32
        %dma_start3A_355 = arith.constant 1 : i32
        %dma_start3A_356 = arith.constant 6 : i32
        %dma_start3A_357 = arith.constant 0 : i32
        %dma_start3A_358 = arith.constant 0 : i32
        %dma_start3A_359 = tpu.memref_slice %arg6[%dma_start3A_355, %dma_start3A_356, %dma_start3A_357, %dma_start3A_358] : memref<2x8x50x56xf32, #tpu.memory_space<vmem>> -> memref<1x1x50x56xf32, #tpu.memory_space<vmem>>
        %dma_start3A_360 = tpu.memref_squeeze %dma_start3A_359 : memref<1x1x50x56xf32, #tpu.memory_space<vmem>> -> memref<50x56xf32, #tpu.memory_space<vmem>>
        %dma_start3A_361 = arith.constant 0 : i32
        %dma_start3A_362 = tpu.memref_slice %arg5[%add3A_354, %dma_start3A_361] : memref<128x50xi32, #tpu.memory_space<vmem>> -> memref<1x50xi32, #tpu.memory_space<vmem>>
        %dma_start3A_363 = tpu.memref_squeeze %dma_start3A_362 : memref<1x50xi32, #tpu.memory_space<vmem>> -> memref<50xi32, #tpu.memory_space<vmem>>
        %dma_start3A_364 = arith.constant 0 : i32
        %dma_start3A_365 = arith.constant 0 : i32
        %dma_start3A_366 = tpu.memref_slice %arg3[%dma_start3A_364, %dma_start3A_365] : memref<100000x56xf32, #tpu.memory_space<hbm>> -> memref<100000x56xf32, #tpu.memory_space<hbm>>
        tpu.enqueue_indirect_dma source(%dma_start3A_366 : memref<100000x56xf32, #tpu.memory_space<hbm>>) target(%dma_start3A_360 : memref<50x56xf32, #tpu.memory_space<vmem>>) offsets(%dma_start3A_363 : memref<50xi32, #tpu.memory_space<vmem>>) semaphore(%arg8 : memref<!tpu.dma_semaphore, #tpu.memory_space<semaphore_mem>>)
        %mul3A_367 = arith.constant 8 : i32
        %mul3A_368 = arith.muli %add3A_120, %mul3A_367 : i32
        %add3A_369 = arith.constant 7 : i32
        %add3A_370 = arith.addi %mul3A_368, %add3A_369 : i32
        %dma_start3A_371 = arith.constant 1 : i32
        %dma_start3A_372 = arith.constant 7 : i32
        %dma_start3A_373 = arith.constant 0 : i32
        %dma_start3A_374 = arith.constant 0 : i32
        %dma_start3A_375 = tpu.memref_slice %arg6[%dma_start3A_371, %dma_start3A_372, %dma_start3A_373, %dma_start3A_374] : memref<2x8x50x56xf32, #tpu.memory_space<vmem>> -> memref<1x1x50x56xf32, #tpu.memory_space<vmem>>
        %dma_start3A_376 = tpu.memref_squeeze %dma_start3A_375 : memref<1x1x50x56xf32, #tpu.memory_space<vmem>> -> memref<50x56xf32, #tpu.memory_space<vmem>>
        %dma_start3A_377 = arith.constant 0 : i32
        %dma_start3A_378 = tpu.memref_slice %arg5[%add3A_370, %dma_start3A_377] : memref<128x50xi32, #tpu.memory_space<vmem>> -> memref<1x50xi32, #tpu.memory_space<vmem>>
        %dma_start3A_379 = tpu.memref_squeeze %dma_start3A_378 : memref<1x50xi32, #tpu.memory_space<vmem>> -> memref<50xi32, #tpu.memory_space<vmem>>
        %dma_start3A_380 = arith.constant 0 : i32
        %dma_start3A_381 = arith.constant 0 : i32
        %dma_start3A_382 = tpu.memref_slice %arg3[%dma_start3A_380, %dma_start3A_381] : memref<100000x56xf32, #tpu.memory_space<hbm>> -> memref<100000x56xf32, #tpu.memory_space<hbm>>
        tpu.enqueue_indirect_dma source(%dma_start3A_382 : memref<100000x56xf32, #tpu.memory_space<hbm>>) target(%dma_start3A_376 : memref<50x56xf32, #tpu.memory_space<vmem>>) offsets(%dma_start3A_379 : memref<50xi32, #tpu.memory_space<vmem>>) semaphore(%arg8 : memref<!tpu.dma_semaphore, #tpu.memory_space<semaphore_mem>>)
      } else {
      }
      %dma_wait3A = arith.constant 0 : i32
      %dma_wait3A_123 = arith.constant 0 : i32
      %dma_wait3A_124 = arith.constant 0 : i32
      %dma_wait3A_125 = arith.constant 0 : i32
      %dma_wait3A_126 = arith.constant 0 : i32
      %dma_wait3A_127 = tpu.memref_slice %arg6[%dma_wait3A_123, %dma_wait3A_124, %dma_wait3A_125, %dma_wait3A_126] : memref<2x8x50x56xf32, #tpu.memory_space<vmem>> -> memref<1x1x50x56xf32, #tpu.memory_space<vmem>>
      %dma_wait3A_128 = tpu.memref_squeeze %dma_wait3A_127 : memref<1x1x50x56xf32, #tpu.memory_space<vmem>> -> memref<50x56xf32, #tpu.memory_space<vmem>>
      %dma_wait3A_129 = arith.constant 0 : i32
      %dma_wait3A_130 = tpu.memref_slice %arg5[%dma_wait3A, %dma_wait3A_129] : memref<128x50xi32, #tpu.memory_space<vmem>> -> memref<1x50xi32, #tpu.memory_space<vmem>>
      %dma_wait3A_131 = tpu.memref_squeeze %dma_wait3A_130 : memref<1x50xi32, #tpu.memory_space<vmem>> -> memref<50xi32, #tpu.memory_space<vmem>>
      %dma_wait3A_132 = arith.constant 0 : i32
      %dma_wait3A_133 = arith.constant 0 : i32
      %dma_wait3A_134 = tpu.memref_slice %arg3[%dma_wait3A_132, %dma_wait3A_133] : memref<100000x56xf32, #tpu.memory_space<hbm>> -> memref<100000x56xf32, #tpu.memory_space<hbm>>
      tpu.wait_indirect_dma semaphore(%arg7 : memref<!tpu.dma_semaphore, #tpu.memory_space<semaphore_mem>>) src(%dma_wait3A_134 : memref<100000x56xf32, #tpu.memory_space<hbm>>) dst(%dma_wait3A_128 : memref<50x56xf32, #tpu.memory_space<vmem>>)
      %dma_wait3A_135 = arith.constant 1 : i32
      %dma_wait3A_136 = arith.constant 0 : i32
      %dma_wait3A_137 = arith.constant 1 : i32
      %dma_wait3A_138 = arith.constant 0 : i32
      %dma_wait3A_139 = arith.constant 0 : i32
      %dma_wait3A_140 = tpu.memref_slice %arg6[%dma_wait3A_136, %dma_wait3A_137, %dma_wait3A_138, %dma_wait3A_139] : memref<2x8x50x56xf32, #tpu.memory_space<vmem>> -> memref<1x1x50x56xf32, #tpu.memory_space<vmem>>
      %dma_wait3A_141 = tpu.memref_squeeze %dma_wait3A_140 : memref<1x1x50x56xf32, #tpu.memory_space<vmem>> -> memref<50x56xf32, #tpu.memory_space<vmem>>
      %dma_wait3A_142 = arith.constant 0 : i32
      %dma_wait3A_143 = tpu.memref_slice %arg5[%dma_wait3A_135, %dma_wait3A_142] : memref<128x50xi32, #tpu.memory_space<vmem>> -> memref<1x50xi32, #tpu.memory_space<vmem>>
      %dma_wait3A_144 = tpu.memref_squeeze %dma_wait3A_143 : memref<1x50xi32, #tpu.memory_space<vmem>> -> memref<50xi32, #tpu.memory_space<vmem>>
      %dma_wait3A_145 = arith.constant 0 : i32
      %dma_wait3A_146 = arith.constant 0 : i32
      %dma_wait3A_147 = tpu.memref_slice %arg3[%dma_wait3A_145, %dma_wait3A_146] : memref<100000x56xf32, #tpu.memory_space<hbm>> -> memref<100000x56xf32, #tpu.memory_space<hbm>>
      tpu.wait_indirect_dma semaphore(%arg7 : memref<!tpu.dma_semaphore, #tpu.memory_space<semaphore_mem>>) src(%dma_wait3A_147 : memref<100000x56xf32, #tpu.memory_space<hbm>>) dst(%dma_wait3A_141 : memref<50x56xf32, #tpu.memory_space<vmem>>)
      %dma_wait3A_148 = arith.constant 2 : i32
      %dma_wait3A_149 = arith.constant 0 : i32
      %dma_wait3A_150 = arith.constant 2 : i32
      %dma_wait3A_151 = arith.constant 0 : i32
      %dma_wait3A_152 = arith.constant 0 : i32
      %dma_wait3A_153 = tpu.memref_slice %arg6[%dma_wait3A_149, %dma_wait3A_150, %dma_wait3A_151, %dma_wait3A_152] : memref<2x8x50x56xf32, #tpu.memory_space<vmem>> -> memref<1x1x50x56xf32, #tpu.memory_space<vmem>>
      %dma_wait3A_154 = tpu.memref_squeeze %dma_wait3A_153 : memref<1x1x50x56xf32, #tpu.memory_space<vmem>> -> memref<50x56xf32, #tpu.memory_space<vmem>>
      %dma_wait3A_155 = arith.constant 0 : i32
      %dma_wait3A_156 = tpu.memref_slice %arg5[%dma_wait3A_148, %dma_wait3A_155] : memref<128x50xi32, #tpu.memory_space<vmem>> -> memref<1x50xi32, #tpu.memory_space<vmem>>
      %dma_wait3A_157 = tpu.memref_squeeze %dma_wait3A_156 : memref<1x50xi32, #tpu.memory_space<vmem>> -> memref<50xi32, #tpu.memory_space<vmem>>
      %dma_wait3A_158 = arith.constant 0 : i32
      %dma_wait3A_159 = arith.constant 0 : i32
      %dma_wait3A_160 = tpu.memref_slice %arg3[%dma_wait3A_158, %dma_wait3A_159] : memref<100000x56xf32, #tpu.memory_space<hbm>> -> memref<100000x56xf32, #tpu.memory_space<hbm>>
      tpu.wait_indirect_dma semaphore(%arg7 : memref<!tpu.dma_semaphore, #tpu.memory_space<semaphore_mem>>) src(%dma_wait3A_160 : memref<100000x56xf32, #tpu.memory_space<hbm>>) dst(%dma_wait3A_154 : memref<50x56xf32, #tpu.memory_space<vmem>>)
      %dma_wait3A_161 = arith.constant 3 : i32
      %dma_wait3A_162 = arith.constant 0 : i32
      %dma_wait3A_163 = arith.constant 3 : i32
      %dma_wait3A_164 = arith.constant 0 : i32
      %dma_wait3A_165 = arith.constant 0 : i32
      %dma_wait3A_166 = tpu.memref_slice %arg6[%dma_wait3A_162, %dma_wait3A_163, %dma_wait3A_164, %dma_wait3A_165] : memref<2x8x50x56xf32, #tpu.memory_space<vmem>> -> memref<1x1x50x56xf32, #tpu.memory_space<vmem>>
      %dma_wait3A_167 = tpu.memref_squeeze %dma_wait3A_166 : memref<1x1x50x56xf32, #tpu.memory_space<vmem>> -> memref<50x56xf32, #tpu.memory_space<vmem>>
      %dma_wait3A_168 = arith.constant 0 : i32
      %dma_wait3A_169 = tpu.memref_slice %arg5[%dma_wait3A_161, %dma_wait3A_168] : memref<128x50xi32, #tpu.memory_space<vmem>> -> memref<1x50xi32, #tpu.memory_space<vmem>>
      %dma_wait3A_170 = tpu.memref_squeeze %dma_wait3A_169 : memref<1x50xi32, #tpu.memory_space<vmem>> -> memref<50xi32, #tpu.memory_space<vmem>>
      %dma_wait3A_171 = arith.constant 0 : i32
      %dma_wait3A_172 = arith.constant 0 : i32
      %dma_wait3A_173 = tpu.memref_slice %arg3[%dma_wait3A_171, %dma_wait3A_172] : memref<100000x56xf32, #tpu.memory_space<hbm>> -> memref<100000x56xf32, #tpu.memory_space<hbm>>
      tpu.wait_indirect_dma semaphore(%arg7 : memref<!tpu.dma_semaphore, #tpu.memory_space<semaphore_mem>>) src(%dma_wait3A_173 : memref<100000x56xf32, #tpu.memory_space<hbm>>) dst(%dma_wait3A_167 : memref<50x56xf32, #tpu.memory_space<vmem>>)
      %dma_wait3A_174 = arith.constant 4 : i32
      %dma_wait3A_175 = arith.constant 0 : i32
      %dma_wait3A_176 = arith.constant 4 : i32
      %dma_wait3A_177 = arith.constant 0 : i32
      %dma_wait3A_178 = arith.constant 0 : i32
      %dma_wait3A_179 = tpu.memref_slice %arg6[%dma_wait3A_175, %dma_wait3A_176, %dma_wait3A_177, %dma_wait3A_178] : memref<2x8x50x56xf32, #tpu.memory_space<vmem>> -> memref<1x1x50x56xf32, #tpu.memory_space<vmem>>
      %dma_wait3A_180 = tpu.memref_squeeze %dma_wait3A_179 : memref<1x1x50x56xf32, #tpu.memory_space<vmem>> -> memref<50x56xf32, #tpu.memory_space<vmem>>
      %dma_wait3A_181 = arith.constant 0 : i32
      %dma_wait3A_182 = tpu.memref_slice %arg5[%dma_wait3A_174, %dma_wait3A_181] : memref<128x50xi32, #tpu.memory_space<vmem>> -> memref<1x50xi32, #tpu.memory_space<vmem>>
      %dma_wait3A_183 = tpu.memref_squeeze %dma_wait3A_182 : memref<1x50xi32, #tpu.memory_space<vmem>> -> memref<50xi32, #tpu.memory_space<vmem>>
      %dma_wait3A_184 = arith.constant 0 : i32
      %dma_wait3A_185 = arith.constant 0 : i32
      %dma_wait3A_186 = tpu.memref_slice %arg3[%dma_wait3A_184, %dma_wait3A_185] : memref<100000x56xf32, #tpu.memory_space<hbm>> -> memref<100000x56xf32, #tpu.memory_space<hbm>>
      tpu.wait_indirect_dma semaphore(%arg7 : memref<!tpu.dma_semaphore, #tpu.memory_space<semaphore_mem>>) src(%dma_wait3A_186 : memref<100000x56xf32, #tpu.memory_space<hbm>>) dst(%dma_wait3A_180 : memref<50x56xf32, #tpu.memory_space<vmem>>)
      %dma_wait3A_187 = arith.constant 5 : i32
      %dma_wait3A_188 = arith.constant 0 : i32
      %dma_wait3A_189 = arith.constant 5 : i32
      %dma_wait3A_190 = arith.constant 0 : i32
      %dma_wait3A_191 = arith.constant 0 : i32
      %dma_wait3A_192 = tpu.memref_slice %arg6[%dma_wait3A_188, %dma_wait3A_189, %dma_wait3A_190, %dma_wait3A_191] : memref<2x8x50x56xf32, #tpu.memory_space<vmem>> -> memref<1x1x50x56xf32, #tpu.memory_space<vmem>>
      %dma_wait3A_193 = tpu.memref_squeeze %dma_wait3A_192 : memref<1x1x50x56xf32, #tpu.memory_space<vmem>> -> memref<50x56xf32, #tpu.memory_space<vmem>>
      %dma_wait3A_194 = arith.constant 0 : i32
      %dma_wait3A_195 = tpu.memref_slice %arg5[%dma_wait3A_187, %dma_wait3A_194] : memref<128x50xi32, #tpu.memory_space<vmem>> -> memref<1x50xi32, #tpu.memory_space<vmem>>
      %dma_wait3A_196 = tpu.memref_squeeze %dma_wait3A_195 : memref<1x50xi32, #tpu.memory_space<vmem>> -> memref<50xi32, #tpu.memory_space<vmem>>
      %dma_wait3A_197 = arith.constant 0 : i32
      %dma_wait3A_198 = arith.constant 0 : i32
      %dma_wait3A_199 = tpu.memref_slice %arg3[%dma_wait3A_197, %dma_wait3A_198] : memref<100000x56xf32, #tpu.memory_space<hbm>> -> memref<100000x56xf32, #tpu.memory_space<hbm>>
      tpu.wait_indirect_dma semaphore(%arg7 : memref<!tpu.dma_semaphore, #tpu.memory_space<semaphore_mem>>) src(%dma_wait3A_199 : memref<100000x56xf32, #tpu.memory_space<hbm>>) dst(%dma_wait3A_193 : memref<50x56xf32, #tpu.memory_space<vmem>>)
      %dma_wait3A_200 = arith.constant 6 : i32
      %dma_wait3A_201 = arith.constant 0 : i32
      %dma_wait3A_202 = arith.constant 6 : i32
      %dma_wait3A_203 = arith.constant 0 : i32
      %dma_wait3A_204 = arith.constant 0 : i32
      %dma_wait3A_205 = tpu.memref_slice %arg6[%dma_wait3A_201, %dma_wait3A_202, %dma_wait3A_203, %dma_wait3A_204] : memref<2x8x50x56xf32, #tpu.memory_space<vmem>> -> memref<1x1x50x56xf32, #tpu.memory_space<vmem>>
      %dma_wait3A_206 = tpu.memref_squeeze %dma_wait3A_205 : memref<1x1x50x56xf32, #tpu.memory_space<vmem>> -> memref<50x56xf32, #tpu.memory_space<vmem>>
      %dma_wait3A_207 = arith.constant 0 : i32
      %dma_wait3A_208 = tpu.memref_slice %arg5[%dma_wait3A_200, %dma_wait3A_207] : memref<128x50xi32, #tpu.memory_space<vmem>> -> memref<1x50xi32, #tpu.memory_space<vmem>>
      %dma_wait3A_209 = tpu.memref_squeeze %dma_wait3A_208 : memref<1x50xi32, #tpu.memory_space<vmem>> -> memref<50xi32, #tpu.memory_space<vmem>>
      %dma_wait3A_210 = arith.constant 0 : i32
      %dma_wait3A_211 = arith.constant 0 : i32
      %dma_wait3A_212 = tpu.memref_slice %arg3[%dma_wait3A_210, %dma_wait3A_211] : memref<100000x56xf32, #tpu.memory_space<hbm>> -> memref<100000x56xf32, #tpu.memory_space<hbm>>
      tpu.wait_indirect_dma semaphore(%arg7 : memref<!tpu.dma_semaphore, #tpu.memory_space<semaphore_mem>>) src(%dma_wait3A_212 : memref<100000x56xf32, #tpu.memory_space<hbm>>) dst(%dma_wait3A_206 : memref<50x56xf32, #tpu.memory_space<vmem>>)
      %dma_wait3A_213 = arith.constant 7 : i32
      %dma_wait3A_214 = arith.constant 0 : i32
      %dma_wait3A_215 = arith.constant 7 : i32
      %dma_wait3A_216 = arith.constant 0 : i32
      %dma_wait3A_217 = arith.constant 0 : i32
      %dma_wait3A_218 = tpu.memref_slice %arg6[%dma_wait3A_214, %dma_wait3A_215, %dma_wait3A_216, %dma_wait3A_217] : memref<2x8x50x56xf32, #tpu.memory_space<vmem>> -> memref<1x1x50x56xf32, #tpu.memory_space<vmem>>
      %dma_wait3A_219 = tpu.memref_squeeze %dma_wait3A_218 : memref<1x1x50x56xf32, #tpu.memory_space<vmem>> -> memref<50x56xf32, #tpu.memory_space<vmem>>
      %dma_wait3A_220 = arith.constant 0 : i32
      %dma_wait3A_221 = tpu.memref_slice %arg5[%dma_wait3A_213, %dma_wait3A_220] : memref<128x50xi32, #tpu.memory_space<vmem>> -> memref<1x50xi32, #tpu.memory_space<vmem>>
      %dma_wait3A_222 = tpu.memref_squeeze %dma_wait3A_221 : memref<1x50xi32, #tpu.memory_space<vmem>> -> memref<50xi32, #tpu.memory_space<vmem>>
      %dma_wait3A_223 = arith.constant 0 : i32
      %dma_wait3A_224 = arith.constant 0 : i32
      %dma_wait3A_225 = tpu.memref_slice %arg3[%dma_wait3A_223, %dma_wait3A_224] : memref<100000x56xf32, #tpu.memory_space<hbm>> -> memref<100000x56xf32, #tpu.memory_space<hbm>>
      tpu.wait_indirect_dma semaphore(%arg7 : memref<!tpu.dma_semaphore, #tpu.memory_space<semaphore_mem>>) src(%dma_wait3A_225 : memref<100000x56xf32, #tpu.memory_space<hbm>>) dst(%dma_wait3A_219 : memref<50x56xf32, #tpu.memory_space<vmem>>)
      %mul3A_226 = arith.constant 8 : i32
      %mul3A_227 = arith.muli %mul3A_116, %mul3A_226 : i32
      %add3A_228 = arith.addi %mul3A_2, %mul3A_227 : i32
      %dma_start3A_229 = arith.constant 0 : i32
      %dma_start3A_230 = arith.constant 0 : i32
      %dma_start3A_231 = arith.constant 0 : i32
      %dma_start3A_232 = arith.constant 0 : i32
      %dma_start3A_233 = tpu.memref_slice %arg6[%dma_start3A_229, %dma_start3A_230, %dma_start3A_231, %dma_start3A_232] : memref<2x8x50x56xf32, #tpu.memory_space<vmem>> -> memref<1x8x50x56xf32, #tpu.memory_space<vmem>>
      %dma_start3A_234 = tpu.memref_squeeze %dma_start3A_233 : memref<1x8x50x56xf32, #tpu.memory_space<vmem>> -> memref<8x50x56xf32, #tpu.memory_space<vmem>>
      %dma_start3A_235 = arith.constant 0 : i32
      %dma_start3A_236 = arith.constant 0 : i32
      %dma_start3A_237 = tpu.memref_slice %arg4[%add3A_228, %dma_start3A_235, %dma_start3A_236] : memref<4096x50x56xf32, #tpu.memory_space<hbm>> -> memref<8x50x56xf32, #tpu.memory_space<hbm>>
      %dma_start3A_238 = arith.constant 0 : i32
      %dma_start3A_239 = arith.constant 0 : i32
      %dma_start3A_240 = tpu.memref_slice %arg4[%add3A_228, %dma_start3A_238, %dma_start3A_239] : memref<4096x50x56xf32, #tpu.memory_space<hbm>> -> memref<8x50x56xf32, #tpu.memory_space<hbm>>
      %dma_start3A_241 = arith.constant 0 : i32
      %dma_start3A_242 = arith.constant 0 : i32
      %dma_start3A_243 = arith.constant 0 : i32
      %dma_start3A_244 = tpu.memref_slice %arg6[%dma_start3A_229, %dma_start3A_241, %dma_start3A_242, %dma_start3A_243] : memref<2x8x50x56xf32, #tpu.memory_space<vmem>> -> memref<1x8x50x56xf32, #tpu.memory_space<vmem>>
      %dma_start3A_245 = tpu.memref_squeeze %dma_start3A_244 : memref<1x8x50x56xf32, #tpu.memory_space<vmem>> -> memref<8x50x56xf32, #tpu.memory_space<vmem>>
      tpu.enqueue_dma source(%dma_start3A_245 : memref<8x50x56xf32, #tpu.memory_space<vmem>>) target(%dma_start3A_240 : memref<8x50x56xf32, #tpu.memory_space<hbm>>) target_semaphore(%arg9 : memref<!tpu.dma_semaphore, #tpu.memory_space<semaphore_mem>>)
      %lt3A_246 = arith.constant 16 : i32
      %lt3A_247 = arith.cmpi slt, %add3A_120, %lt3A_246 : i32
      %convert_element_type3A_248 = arith.extui %lt3A_247 : i1 to i32
      %cond3A_249 = arith.constant 0 : i32
      %cond3A_250 = arith.cmpi ne, %convert_element_type3A_248, %cond3A_249 : i32
      scf.if %cond3A_250 {
        %dma_wait3A_255 = arith.constant 0 : i32
        %dma_wait3A_256 = arith.constant 1 : i32
        %dma_wait3A_257 = arith.constant 0 : i32
        %dma_wait3A_258 = arith.constant 0 : i32
        %dma_wait3A_259 = arith.constant 0 : i32
        %dma_wait3A_260 = tpu.memref_slice %arg6[%dma_wait3A_256, %dma_wait3A_257, %dma_wait3A_258, %dma_wait3A_259] : memref<2x8x50x56xf32, #tpu.memory_space<vmem>> -> memref<1x1x50x56xf32, #tpu.memory_space<vmem>>
        %dma_wait3A_261 = tpu.memref_squeeze %dma_wait3A_260 : memref<1x1x50x56xf32, #tpu.memory_space<vmem>> -> memref<50x56xf32, #tpu.memory_space<vmem>>
        %dma_wait3A_262 = arith.constant 0 : i32
        %dma_wait3A_263 = tpu.memref_slice %arg5[%dma_wait3A_255, %dma_wait3A_262] : memref<128x50xi32, #tpu.memory_space<vmem>> -> memref<1x50xi32, #tpu.memory_space<vmem>>
        %dma_wait3A_264 = tpu.memref_squeeze %dma_wait3A_263 : memref<1x50xi32, #tpu.memory_space<vmem>> -> memref<50xi32, #tpu.memory_space<vmem>>
        %dma_wait3A_265 = arith.constant 0 : i32
        %dma_wait3A_266 = arith.constant 0 : i32
        %dma_wait3A_267 = tpu.memref_slice %arg3[%dma_wait3A_265, %dma_wait3A_266] : memref<100000x56xf32, #tpu.memory_space<hbm>> -> memref<100000x56xf32, #tpu.memory_space<hbm>>
        tpu.wait_indirect_dma semaphore(%arg8 : memref<!tpu.dma_semaphore, #tpu.memory_space<semaphore_mem>>) src(%dma_wait3A_267 : memref<100000x56xf32, #tpu.memory_space<hbm>>) dst(%dma_wait3A_261 : memref<50x56xf32, #tpu.memory_space<vmem>>)
        %dma_wait3A_268 = arith.constant 1 : i32
        %dma_wait3A_269 = arith.constant 1 : i32
        %dma_wait3A_270 = arith.constant 1 : i32
        %dma_wait3A_271 = arith.constant 0 : i32
        %dma_wait3A_272 = arith.constant 0 : i32
        %dma_wait3A_273 = tpu.memref_slice %arg6[%dma_wait3A_269, %dma_wait3A_270, %dma_wait3A_271, %dma_wait3A_272] : memref<2x8x50x56xf32, #tpu.memory_space<vmem>> -> memref<1x1x50x56xf32, #tpu.memory_space<vmem>>
        %dma_wait3A_274 = tpu.memref_squeeze %dma_wait3A_273 : memref<1x1x50x56xf32, #tpu.memory_space<vmem>> -> memref<50x56xf32, #tpu.memory_space<vmem>>
        %dma_wait3A_275 = arith.constant 0 : i32
        %dma_wait3A_276 = tpu.memref_slice %arg5[%dma_wait3A_268, %dma_wait3A_275] : memref<128x50xi32, #tpu.memory_space<vmem>> -> memref<1x50xi32, #tpu.memory_space<vmem>>
        %dma_wait3A_277 = tpu.memref_squeeze %dma_wait3A_276 : memref<1x50xi32, #tpu.memory_space<vmem>> -> memref<50xi32, #tpu.memory_space<vmem>>
        %dma_wait3A_278 = arith.constant 0 : i32
        %dma_wait3A_279 = arith.constant 0 : i32
        %dma_wait3A_280 = tpu.memref_slice %arg3[%dma_wait3A_278, %dma_wait3A_279] : memref<100000x56xf32, #tpu.memory_space<hbm>> -> memref<100000x56xf32, #tpu.memory_space<hbm>>
        tpu.wait_indirect_dma semaphore(%arg8 : memref<!tpu.dma_semaphore, #tpu.memory_space<semaphore_mem>>) src(%dma_wait3A_280 : memref<100000x56xf32, #tpu.memory_space<hbm>>) dst(%dma_wait3A_274 : memref<50x56xf32, #tpu.memory_space<vmem>>)
        %dma_wait3A_281 = arith.constant 2 : i32
        %dma_wait3A_282 = arith.constant 1 : i32
        %dma_wait3A_283 = arith.constant 2 : i32
        %dma_wait3A_284 = arith.constant 0 : i32
        %dma_wait3A_285 = arith.constant 0 : i32
        %dma_wait3A_286 = tpu.memref_slice %arg6[%dma_wait3A_282, %dma_wait3A_283, %dma_wait3A_284, %dma_wait3A_285] : memref<2x8x50x56xf32, #tpu.memory_space<vmem>> -> memref<1x1x50x56xf32, #tpu.memory_space<vmem>>
        %dma_wait3A_287 = tpu.memref_squeeze %dma_wait3A_286 : memref<1x1x50x56xf32, #tpu.memory_space<vmem>> -> memref<50x56xf32, #tpu.memory_space<vmem>>
        %dma_wait3A_288 = arith.constant 0 : i32
        %dma_wait3A_289 = tpu.memref_slice %arg5[%dma_wait3A_281, %dma_wait3A_288] : memref<128x50xi32, #tpu.memory_space<vmem>> -> memref<1x50xi32, #tpu.memory_space<vmem>>
        %dma_wait3A_290 = tpu.memref_squeeze %dma_wait3A_289 : memref<1x50xi32, #tpu.memory_space<vmem>> -> memref<50xi32, #tpu.memory_space<vmem>>
        %dma_wait3A_291 = arith.constant 0 : i32
        %dma_wait3A_292 = arith.constant 0 : i32
        %dma_wait3A_293 = tpu.memref_slice %arg3[%dma_wait3A_291, %dma_wait3A_292] : memref<100000x56xf32, #tpu.memory_space<hbm>> -> memref<100000x56xf32, #tpu.memory_space<hbm>>
        tpu.wait_indirect_dma semaphore(%arg8 : memref<!tpu.dma_semaphore, #tpu.memory_space<semaphore_mem>>) src(%dma_wait3A_293 : memref<100000x56xf32, #tpu.memory_space<hbm>>) dst(%dma_wait3A_287 : memref<50x56xf32, #tpu.memory_space<vmem>>)
        %dma_wait3A_294 = arith.constant 3 : i32
        %dma_wait3A_295 = arith.constant 1 : i32
        %dma_wait3A_296 = arith.constant 3 : i32
        %dma_wait3A_297 = arith.constant 0 : i32
        %dma_wait3A_298 = arith.constant 0 : i32
        %dma_wait3A_299 = tpu.memref_slice %arg6[%dma_wait3A_295, %dma_wait3A_296, %dma_wait3A_297, %dma_wait3A_298] : memref<2x8x50x56xf32, #tpu.memory_space<vmem>> -> memref<1x1x50x56xf32, #tpu.memory_space<vmem>>
        %dma_wait3A_300 = tpu.memref_squeeze %dma_wait3A_299 : memref<1x1x50x56xf32, #tpu.memory_space<vmem>> -> memref<50x56xf32, #tpu.memory_space<vmem>>
        %dma_wait3A_301 = arith.constant 0 : i32
        %dma_wait3A_302 = tpu.memref_slice %arg5[%dma_wait3A_294, %dma_wait3A_301] : memref<128x50xi32, #tpu.memory_space<vmem>> -> memref<1x50xi32, #tpu.memory_space<vmem>>
        %dma_wait3A_303 = tpu.memref_squeeze %dma_wait3A_302 : memref<1x50xi32, #tpu.memory_space<vmem>> -> memref<50xi32, #tpu.memory_space<vmem>>
        %dma_wait3A_304 = arith.constant 0 : i32
        %dma_wait3A_305 = arith.constant 0 : i32
        %dma_wait3A_306 = tpu.memref_slice %arg3[%dma_wait3A_304, %dma_wait3A_305] : memref<100000x56xf32, #tpu.memory_space<hbm>> -> memref<100000x56xf32, #tpu.memory_space<hbm>>
        tpu.wait_indirect_dma semaphore(%arg8 : memref<!tpu.dma_semaphore, #tpu.memory_space<semaphore_mem>>) src(%dma_wait3A_306 : memref<100000x56xf32, #tpu.memory_space<hbm>>) dst(%dma_wait3A_300 : memref<50x56xf32, #tpu.memory_space<vmem>>)
        %dma_wait3A_307 = arith.constant 4 : i32
        %dma_wait3A_308 = arith.constant 1 : i32
        %dma_wait3A_309 = arith.constant 4 : i32
        %dma_wait3A_310 = arith.constant 0 : i32
        %dma_wait3A_311 = arith.constant 0 : i32
        %dma_wait3A_312 = tpu.memref_slice %arg6[%dma_wait3A_308, %dma_wait3A_309, %dma_wait3A_310, %dma_wait3A_311] : memref<2x8x50x56xf32, #tpu.memory_space<vmem>> -> memref<1x1x50x56xf32, #tpu.memory_space<vmem>>
        %dma_wait3A_313 = tpu.memref_squeeze %dma_wait3A_312 : memref<1x1x50x56xf32, #tpu.memory_space<vmem>> -> memref<50x56xf32, #tpu.memory_space<vmem>>
        %dma_wait3A_314 = arith.constant 0 : i32
        %dma_wait3A_315 = tpu.memref_slice %arg5[%dma_wait3A_307, %dma_wait3A_314] : memref<128x50xi32, #tpu.memory_space<vmem>> -> memref<1x50xi32, #tpu.memory_space<vmem>>
        %dma_wait3A_316 = tpu.memref_squeeze %dma_wait3A_315 : memref<1x50xi32, #tpu.memory_space<vmem>> -> memref<50xi32, #tpu.memory_space<vmem>>
        %dma_wait3A_317 = arith.constant 0 : i32
        %dma_wait3A_318 = arith.constant 0 : i32
        %dma_wait3A_319 = tpu.memref_slice %arg3[%dma_wait3A_317, %dma_wait3A_318] : memref<100000x56xf32, #tpu.memory_space<hbm>> -> memref<100000x56xf32, #tpu.memory_space<hbm>>
        tpu.wait_indirect_dma semaphore(%arg8 : memref<!tpu.dma_semaphore, #tpu.memory_space<semaphore_mem>>) src(%dma_wait3A_319 : memref<100000x56xf32, #tpu.memory_space<hbm>>) dst(%dma_wait3A_313 : memref<50x56xf32, #tpu.memory_space<vmem>>)
        %dma_wait3A_320 = arith.constant 5 : i32
        %dma_wait3A_321 = arith.constant 1 : i32
        %dma_wait3A_322 = arith.constant 5 : i32
        %dma_wait3A_323 = arith.constant 0 : i32
        %dma_wait3A_324 = arith.constant 0 : i32
        %dma_wait3A_325 = tpu.memref_slice %arg6[%dma_wait3A_321, %dma_wait3A_322, %dma_wait3A_323, %dma_wait3A_324] : memref<2x8x50x56xf32, #tpu.memory_space<vmem>> -> memref<1x1x50x56xf32, #tpu.memory_space<vmem>>
        %dma_wait3A_326 = tpu.memref_squeeze %dma_wait3A_325 : memref<1x1x50x56xf32, #tpu.memory_space<vmem>> -> memref<50x56xf32, #tpu.memory_space<vmem>>
        %dma_wait3A_327 = arith.constant 0 : i32
        %dma_wait3A_328 = tpu.memref_slice %arg5[%dma_wait3A_320, %dma_wait3A_327] : memref<128x50xi32, #tpu.memory_space<vmem>> -> memref<1x50xi32, #tpu.memory_space<vmem>>
        %dma_wait3A_329 = tpu.memref_squeeze %dma_wait3A_328 : memref<1x50xi32, #tpu.memory_space<vmem>> -> memref<50xi32, #tpu.memory_space<vmem>>
        %dma_wait3A_330 = arith.constant 0 : i32
        %dma_wait3A_331 = arith.constant 0 : i32
        %dma_wait3A_332 = tpu.memref_slice %arg3[%dma_wait3A_330, %dma_wait3A_331] : memref<100000x56xf32, #tpu.memory_space<hbm>> -> memref<100000x56xf32, #tpu.memory_space<hbm>>
        tpu.wait_indirect_dma semaphore(%arg8 : memref<!tpu.dma_semaphore, #tpu.memory_space<semaphore_mem>>) src(%dma_wait3A_332 : memref<100000x56xf32, #tpu.memory_space<hbm>>) dst(%dma_wait3A_326 : memref<50x56xf32, #tpu.memory_space<vmem>>)
        %dma_wait3A_333 = arith.constant 6 : i32
        %dma_wait3A_334 = arith.constant 1 : i32
        %dma_wait3A_335 = arith.constant 6 : i32
        %dma_wait3A_336 = arith.constant 0 : i32
        %dma_wait3A_337 = arith.constant 0 : i32
        %dma_wait3A_338 = tpu.memref_slice %arg6[%dma_wait3A_334, %dma_wait3A_335, %dma_wait3A_336, %dma_wait3A_337] : memref<2x8x50x56xf32, #tpu.memory_space<vmem>> -> memref<1x1x50x56xf32, #tpu.memory_space<vmem>>
        %dma_wait3A_339 = tpu.memref_squeeze %dma_wait3A_338 : memref<1x1x50x56xf32, #tpu.memory_space<vmem>> -> memref<50x56xf32, #tpu.memory_space<vmem>>
        %dma_wait3A_340 = arith.constant 0 : i32
        %dma_wait3A_341 = tpu.memref_slice %arg5[%dma_wait3A_333, %dma_wait3A_340] : memref<128x50xi32, #tpu.memory_space<vmem>> -> memref<1x50xi32, #tpu.memory_space<vmem>>
        %dma_wait3A_342 = tpu.memref_squeeze %dma_wait3A_341 : memref<1x50xi32, #tpu.memory_space<vmem>> -> memref<50xi32, #tpu.memory_space<vmem>>
        %dma_wait3A_343 = arith.constant 0 : i32
        %dma_wait3A_344 = arith.constant 0 : i32
        %dma_wait3A_345 = tpu.memref_slice %arg3[%dma_wait3A_343, %dma_wait3A_344] : memref<100000x56xf32, #tpu.memory_space<hbm>> -> memref<100000x56xf32, #tpu.memory_space<hbm>>
        tpu.wait_indirect_dma semaphore(%arg8 : memref<!tpu.dma_semaphore, #tpu.memory_space<semaphore_mem>>) src(%dma_wait3A_345 : memref<100000x56xf32, #tpu.memory_space<hbm>>) dst(%dma_wait3A_339 : memref<50x56xf32, #tpu.memory_space<vmem>>)
        %dma_wait3A_346 = arith.constant 7 : i32
        %dma_wait3A_347 = arith.constant 1 : i32
        %dma_wait3A_348 = arith.constant 7 : i32
        %dma_wait3A_349 = arith.constant 0 : i32
        %dma_wait3A_350 = arith.constant 0 : i32
        %dma_wait3A_351 = tpu.memref_slice %arg6[%dma_wait3A_347, %dma_wait3A_348, %dma_wait3A_349, %dma_wait3A_350] : memref<2x8x50x56xf32, #tpu.memory_space<vmem>> -> memref<1x1x50x56xf32, #tpu.memory_space<vmem>>
        %dma_wait3A_352 = tpu.memref_squeeze %dma_wait3A_351 : memref<1x1x50x56xf32, #tpu.memory_space<vmem>> -> memref<50x56xf32, #tpu.memory_space<vmem>>
        %dma_wait3A_353 = arith.constant 0 : i32
        %dma_wait3A_354 = tpu.memref_slice %arg5[%dma_wait3A_346, %dma_wait3A_353] : memref<128x50xi32, #tpu.memory_space<vmem>> -> memref<1x50xi32, #tpu.memory_space<vmem>>
        %dma_wait3A_355 = tpu.memref_squeeze %dma_wait3A_354 : memref<1x50xi32, #tpu.memory_space<vmem>> -> memref<50xi32, #tpu.memory_space<vmem>>
        %dma_wait3A_356 = arith.constant 0 : i32
        %dma_wait3A_357 = arith.constant 0 : i32
        %dma_wait3A_358 = tpu.memref_slice %arg3[%dma_wait3A_356, %dma_wait3A_357] : memref<100000x56xf32, #tpu.memory_space<hbm>> -> memref<100000x56xf32, #tpu.memory_space<hbm>>
        tpu.wait_indirect_dma semaphore(%arg8 : memref<!tpu.dma_semaphore, #tpu.memory_space<semaphore_mem>>) src(%dma_wait3A_358 : memref<100000x56xf32, #tpu.memory_space<hbm>>) dst(%dma_wait3A_352 : memref<50x56xf32, #tpu.memory_space<vmem>>)
        %mul3A_359 = arith.constant 8 : i32
        %mul3A_360 = arith.muli %mul3A_116, %mul3A_359 : i32
        %add3A_361 = arith.addi %mul3A_2, %mul3A_360 : i32
        %dma_wait3A_362 = arith.constant 0 : i32
        %dma_wait3A_363 = arith.constant 0 : i32
        %dma_wait3A_364 = arith.constant 0 : i32
        %dma_wait3A_365 = arith.constant 0 : i32
        %dma_wait3A_366 = tpu.memref_slice %arg6[%dma_wait3A_362, %dma_wait3A_363, %dma_wait3A_364, %dma_wait3A_365] : memref<2x8x50x56xf32, #tpu.memory_space<vmem>> -> memref<1x8x50x56xf32, #tpu.memory_space<vmem>>
        %dma_wait3A_367 = tpu.memref_squeeze %dma_wait3A_366 : memref<1x8x50x56xf32, #tpu.memory_space<vmem>> -> memref<8x50x56xf32, #tpu.memory_space<vmem>>
        %dma_wait3A_368 = arith.constant 0 : i32
        %dma_wait3A_369 = arith.constant 0 : i32
        %dma_wait3A_370 = tpu.memref_slice %arg4[%add3A_361, %dma_wait3A_368, %dma_wait3A_369] : memref<4096x50x56xf32, #tpu.memory_space<hbm>> -> memref<8x50x56xf32, #tpu.memory_space<hbm>>
        %dma_wait3A_371 = arith.constant 0 : i32
        %dma_wait3A_372 = arith.constant 0 : i32
        %dma_wait3A_373 = tpu.memref_slice %arg4[%add3A_361, %dma_wait3A_371, %dma_wait3A_372] : memref<4096x50x56xf32, #tpu.memory_space<hbm>> -> memref<8x50x56xf32, #tpu.memory_space<hbm>>
        %dma_wait3A_374 = arith.constant 0 : i32
        %dma_wait3A_375 = arith.constant 0 : i32
        %dma_wait3A_376 = arith.constant 0 : i32
        %dma_wait3A_377 = tpu.memref_slice %arg6[%dma_wait3A_362, %dma_wait3A_374, %dma_wait3A_375, %dma_wait3A_376] : memref<2x8x50x56xf32, #tpu.memory_space<vmem>> -> memref<1x8x50x56xf32, #tpu.memory_space<vmem>>
        %dma_wait3A_378 = tpu.memref_squeeze %dma_wait3A_377 : memref<1x8x50x56xf32, #tpu.memory_space<vmem>> -> memref<8x50x56xf32, #tpu.memory_space<vmem>>
        tpu.wait_dma2 semaphore(%arg9 : memref<!tpu.dma_semaphore, #tpu.memory_space<semaphore_mem>>) src(%dma_wait3A_378 : memref<8x50x56xf32, #tpu.memory_space<vmem>>) dst(%dma_wait3A_373 : memref<8x50x56xf32, #tpu.memory_space<hbm>>)
        %add3A_379 = arith.constant 1 : i32
        %add3A_380 = arith.addi %add3A_120, %add3A_379 : i32
        %lt3A_381 = arith.constant 16 : i32
        %lt3A_382 = arith.cmpi slt, %add3A_380, %lt3A_381 : i32
        %convert_element_type3A_383 = arith.extui %lt3A_382 : i1 to i32
        %cond3A_384 = arith.constant 0 : i32
        %cond3A_385 = arith.cmpi ne, %convert_element_type3A_383, %cond3A_384 : i32
        scf.if %cond3A_385 {
          %add3A_426 = arith.constant 1 : i32
          %add3A_427 = arith.addi %add3A_120, %add3A_426 : i32
          %mul3A_428 = arith.constant 8 : i32
          %mul3A_429 = arith.muli %add3A_427, %mul3A_428 : i32
          %add3A_430 = arith.constant 0 : i32
          %add3A_431 = arith.addi %mul3A_429, %add3A_430 : i32
          %dma_start3A_432 = arith.constant 0 : i32
          %dma_start3A_433 = arith.constant 0 : i32
          %dma_start3A_434 = arith.constant 0 : i32
          %dma_start3A_435 = arith.constant 0 : i32
          %dma_start3A_436 = tpu.memref_slice %arg6[%dma_start3A_432, %dma_start3A_433, %dma_start3A_434, %dma_start3A_435] : memref<2x8x50x56xf32, #tpu.memory_space<vmem>> -> memref<1x1x50x56xf32, #tpu.memory_space<vmem>>
          %dma_start3A_437 = tpu.memref_squeeze %dma_start3A_436 : memref<1x1x50x56xf32, #tpu.memory_space<vmem>> -> memref<50x56xf32, #tpu.memory_space<vmem>>
          %dma_start3A_438 = arith.constant 0 : i32
          %dma_start3A_439 = tpu.memref_slice %arg5[%add3A_431, %dma_start3A_438] : memref<128x50xi32, #tpu.memory_space<vmem>> -> memref<1x50xi32, #tpu.memory_space<vmem>>
          %dma_start3A_440 = tpu.memref_squeeze %dma_start3A_439 : memref<1x50xi32, #tpu.memory_space<vmem>> -> memref<50xi32, #tpu.memory_space<vmem>>
          %dma_start3A_441 = arith.constant 0 : i32
          %dma_start3A_442 = arith.constant 0 : i32
          %dma_start3A_443 = tpu.memref_slice %arg3[%dma_start3A_441, %dma_start3A_442] : memref<100000x56xf32, #tpu.memory_space<hbm>> -> memref<100000x56xf32, #tpu.memory_space<hbm>>
          tpu.enqueue_indirect_dma source(%dma_start3A_443 : memref<100000x56xf32, #tpu.memory_space<hbm>>) target(%dma_start3A_437 : memref<50x56xf32, #tpu.memory_space<vmem>>) offsets(%dma_start3A_440 : memref<50xi32, #tpu.memory_space<vmem>>) semaphore(%arg7 : memref<!tpu.dma_semaphore, #tpu.memory_space<semaphore_mem>>)
          %mul3A_444 = arith.constant 8 : i32
          %mul3A_445 = arith.muli %add3A_427, %mul3A_444 : i32
          %add3A_446 = arith.constant 1 : i32
          %add3A_447 = arith.addi %mul3A_445, %add3A_446 : i32
          %dma_start3A_448 = arith.constant 0 : i32
          %dma_start3A_449 = arith.constant 1 : i32
          %dma_start3A_450 = arith.constant 0 : i32
          %dma_start3A_451 = arith.constant 0 : i32
          %dma_start3A_452 = tpu.memref_slice %arg6[%dma_start3A_448, %dma_start3A_449, %dma_start3A_450, %dma_start3A_451] : memref<2x8x50x56xf32, #tpu.memory_space<vmem>> -> memref<1x1x50x56xf32, #tpu.memory_space<vmem>>
          %dma_start3A_453 = tpu.memref_squeeze %dma_start3A_452 : memref<1x1x50x56xf32, #tpu.memory_space<vmem>> -> memref<50x56xf32, #tpu.memory_space<vmem>>
          %dma_start3A_454 = arith.constant 0 : i32
          %dma_start3A_455 = tpu.memref_slice %arg5[%add3A_447, %dma_start3A_454] : memref<128x50xi32, #tpu.memory_space<vmem>> -> memref<1x50xi32, #tpu.memory_space<vmem>>
          %dma_start3A_456 = tpu.memref_squeeze %dma_start3A_455 : memref<1x50xi32, #tpu.memory_space<vmem>> -> memref<50xi32, #tpu.memory_space<vmem>>
          %dma_start3A_457 = arith.constant 0 : i32
          %dma_start3A_458 = arith.constant 0 : i32
          %dma_start3A_459 = tpu.memref_slice %arg3[%dma_start3A_457, %dma_start3A_458] : memref<100000x56xf32, #tpu.memory_space<hbm>> -> memref<100000x56xf32, #tpu.memory_space<hbm>>
          tpu.enqueue_indirect_dma source(%dma_start3A_459 : memref<100000x56xf32, #tpu.memory_space<hbm>>) target(%dma_start3A_453 : memref<50x56xf32, #tpu.memory_space<vmem>>) offsets(%dma_start3A_456 : memref<50xi32, #tpu.memory_space<vmem>>) semaphore(%arg7 : memref<!tpu.dma_semaphore, #tpu.memory_space<semaphore_mem>>)
          %mul3A_460 = arith.constant 8 : i32
          %mul3A_461 = arith.muli %add3A_427, %mul3A_460 : i32
          %add3A_462 = arith.constant 2 : i32
          %add3A_463 = arith.addi %mul3A_461, %add3A_462 : i32
          %dma_start3A_464 = arith.constant 0 : i32
          %dma_start3A_465 = arith.constant 2 : i32
          %dma_start3A_466 = arith.constant 0 : i32
          %dma_start3A_467 = arith.constant 0 : i32
          %dma_start3A_468 = tpu.memref_slice %arg6[%dma_start3A_464, %dma_start3A_465, %dma_start3A_466, %dma_start3A_467] : memref<2x8x50x56xf32, #tpu.memory_space<vmem>> -> memref<1x1x50x56xf32, #tpu.memory_space<vmem>>
          %dma_start3A_469 = tpu.memref_squeeze %dma_start3A_468 : memref<1x1x50x56xf32, #tpu.memory_space<vmem>> -> memref<50x56xf32, #tpu.memory_space<vmem>>
          %dma_start3A_470 = arith.constant 0 : i32
          %dma_start3A_471 = tpu.memref_slice %arg5[%add3A_463, %dma_start3A_470] : memref<128x50xi32, #tpu.memory_space<vmem>> -> memref<1x50xi32, #tpu.memory_space<vmem>>
          %dma_start3A_472 = tpu.memref_squeeze %dma_start3A_471 : memref<1x50xi32, #tpu.memory_space<vmem>> -> memref<50xi32, #tpu.memory_space<vmem>>
          %dma_start3A_473 = arith.constant 0 : i32
          %dma_start3A_474 = arith.constant 0 : i32
          %dma_start3A_475 = tpu.memref_slice %arg3[%dma_start3A_473, %dma_start3A_474] : memref<100000x56xf32, #tpu.memory_space<hbm>> -> memref<100000x56xf32, #tpu.memory_space<hbm>>
          tpu.enqueue_indirect_dma source(%dma_start3A_475 : memref<100000x56xf32, #tpu.memory_space<hbm>>) target(%dma_start3A_469 : memref<50x56xf32, #tpu.memory_space<vmem>>) offsets(%dma_start3A_472 : memref<50xi32, #tpu.memory_space<vmem>>) semaphore(%arg7 : memref<!tpu.dma_semaphore, #tpu.memory_space<semaphore_mem>>)
          %mul3A_476 = arith.constant 8 : i32
          %mul3A_477 = arith.muli %add3A_427, %mul3A_476 : i32
          %add3A_478 = arith.constant 3 : i32
          %add3A_479 = arith.addi %mul3A_477, %add3A_478 : i32
          %dma_start3A_480 = arith.constant 0 : i32
          %dma_start3A_481 = arith.constant 3 : i32
          %dma_start3A_482 = arith.constant 0 : i32
          %dma_start3A_483 = arith.constant 0 : i32
          %dma_start3A_484 = tpu.memref_slice %arg6[%dma_start3A_480, %dma_start3A_481, %dma_start3A_482, %dma_start3A_483] : memref<2x8x50x56xf32, #tpu.memory_space<vmem>> -> memref<1x1x50x56xf32, #tpu.memory_space<vmem>>
          %dma_start3A_485 = tpu.memref_squeeze %dma_start3A_484 : memref<1x1x50x56xf32, #tpu.memory_space<vmem>> -> memref<50x56xf32, #tpu.memory_space<vmem>>
          %dma_start3A_486 = arith.constant 0 : i32
          %dma_start3A_487 = tpu.memref_slice %arg5[%add3A_479, %dma_start3A_486] : memref<128x50xi32, #tpu.memory_space<vmem>> -> memref<1x50xi32, #tpu.memory_space<vmem>>
          %dma_start3A_488 = tpu.memref_squeeze %dma_start3A_487 : memref<1x50xi32, #tpu.memory_space<vmem>> -> memref<50xi32, #tpu.memory_space<vmem>>
          %dma_start3A_489 = arith.constant 0 : i32
          %dma_start3A_490 = arith.constant 0 : i32
          %dma_start3A_491 = tpu.memref_slice %arg3[%dma_start3A_489, %dma_start3A_490] : memref<100000x56xf32, #tpu.memory_space<hbm>> -> memref<100000x56xf32, #tpu.memory_space<hbm>>
          tpu.enqueue_indirect_dma source(%dma_start3A_491 : memref<100000x56xf32, #tpu.memory_space<hbm>>) target(%dma_start3A_485 : memref<50x56xf32, #tpu.memory_space<vmem>>) offsets(%dma_start3A_488 : memref<50xi32, #tpu.memory_space<vmem>>) semaphore(%arg7 : memref<!tpu.dma_semaphore, #tpu.memory_space<semaphore_mem>>)
          %mul3A_492 = arith.constant 8 : i32
          %mul3A_493 = arith.muli %add3A_427, %mul3A_492 : i32
          %add3A_494 = arith.constant 4 : i32
          %add3A_495 = arith.addi %mul3A_493, %add3A_494 : i32
          %dma_start3A_496 = arith.constant 0 : i32
          %dma_start3A_497 = arith.constant 4 : i32
          %dma_start3A_498 = arith.constant 0 : i32
          %dma_start3A_499 = arith.constant 0 : i32
          %dma_start3A_500 = tpu.memref_slice %arg6[%dma_start3A_496, %dma_start3A_497, %dma_start3A_498, %dma_start3A_499] : memref<2x8x50x56xf32, #tpu.memory_space<vmem>> -> memref<1x1x50x56xf32, #tpu.memory_space<vmem>>
          %dma_start3A_501 = tpu.memref_squeeze %dma_start3A_500 : memref<1x1x50x56xf32, #tpu.memory_space<vmem>> -> memref<50x56xf32, #tpu.memory_space<vmem>>
          %dma_start3A_502 = arith.constant 0 : i32
          %dma_start3A_503 = tpu.memref_slice %arg5[%add3A_495, %dma_start3A_502] : memref<128x50xi32, #tpu.memory_space<vmem>> -> memref<1x50xi32, #tpu.memory_space<vmem>>
          %dma_start3A_504 = tpu.memref_squeeze %dma_start3A_503 : memref<1x50xi32, #tpu.memory_space<vmem>> -> memref<50xi32, #tpu.memory_space<vmem>>
          %dma_start3A_505 = arith.constant 0 : i32
          %dma_start3A_506 = arith.constant 0 : i32
          %dma_start3A_507 = tpu.memref_slice %arg3[%dma_start3A_505, %dma_start3A_506] : memref<100000x56xf32, #tpu.memory_space<hbm>> -> memref<100000x56xf32, #tpu.memory_space<hbm>>
          tpu.enqueue_indirect_dma source(%dma_start3A_507 : memref<100000x56xf32, #tpu.memory_space<hbm>>) target(%dma_start3A_501 : memref<50x56xf32, #tpu.memory_space<vmem>>) offsets(%dma_start3A_504 : memref<50xi32, #tpu.memory_space<vmem>>) semaphore(%arg7 : memref<!tpu.dma_semaphore, #tpu.memory_space<semaphore_mem>>)
          %mul3A_508 = arith.constant 8 : i32
          %mul3A_509 = arith.muli %add3A_427, %mul3A_508 : i32
          %add3A_510 = arith.constant 5 : i32
          %add3A_511 = arith.addi %mul3A_509, %add3A_510 : i32
          %dma_start3A_512 = arith.constant 0 : i32
          %dma_start3A_513 = arith.constant 5 : i32
          %dma_start3A_514 = arith.constant 0 : i32
          %dma_start3A_515 = arith.constant 0 : i32
          %dma_start3A_516 = tpu.memref_slice %arg6[%dma_start3A_512, %dma_start3A_513, %dma_start3A_514, %dma_start3A_515] : memref<2x8x50x56xf32, #tpu.memory_space<vmem>> -> memref<1x1x50x56xf32, #tpu.memory_space<vmem>>
          %dma_start3A_517 = tpu.memref_squeeze %dma_start3A_516 : memref<1x1x50x56xf32, #tpu.memory_space<vmem>> -> memref<50x56xf32, #tpu.memory_space<vmem>>
          %dma_start3A_518 = arith.constant 0 : i32
          %dma_start3A_519 = tpu.memref_slice %arg5[%add3A_511, %dma_start3A_518] : memref<128x50xi32, #tpu.memory_space<vmem>> -> memref<1x50xi32, #tpu.memory_space<vmem>>
          %dma_start3A_520 = tpu.memref_squeeze %dma_start3A_519 : memref<1x50xi32, #tpu.memory_space<vmem>> -> memref<50xi32, #tpu.memory_space<vmem>>
          %dma_start3A_521 = arith.constant 0 : i32
          %dma_start3A_522 = arith.constant 0 : i32
          %dma_start3A_523 = tpu.memref_slice %arg3[%dma_start3A_521, %dma_start3A_522] : memref<100000x56xf32, #tpu.memory_space<hbm>> -> memref<100000x56xf32, #tpu.memory_space<hbm>>
          tpu.enqueue_indirect_dma source(%dma_start3A_523 : memref<100000x56xf32, #tpu.memory_space<hbm>>) target(%dma_start3A_517 : memref<50x56xf32, #tpu.memory_space<vmem>>) offsets(%dma_start3A_520 : memref<50xi32, #tpu.memory_space<vmem>>) semaphore(%arg7 : memref<!tpu.dma_semaphore, #tpu.memory_space<semaphore_mem>>)
          %mul3A_524 = arith.constant 8 : i32
          %mul3A_525 = arith.muli %add3A_427, %mul3A_524 : i32
          %add3A_526 = arith.constant 6 : i32
          %add3A_527 = arith.addi %mul3A_525, %add3A_526 : i32
          %dma_start3A_528 = arith.constant 0 : i32
          %dma_start3A_529 = arith.constant 6 : i32
          %dma_start3A_530 = arith.constant 0 : i32
          %dma_start3A_531 = arith.constant 0 : i32
          %dma_start3A_532 = tpu.memref_slice %arg6[%dma_start3A_528, %dma_start3A_529, %dma_start3A_530, %dma_start3A_531] : memref<2x8x50x56xf32, #tpu.memory_space<vmem>> -> memref<1x1x50x56xf32, #tpu.memory_space<vmem>>
          %dma_start3A_533 = tpu.memref_squeeze %dma_start3A_532 : memref<1x1x50x56xf32, #tpu.memory_space<vmem>> -> memref<50x56xf32, #tpu.memory_space<vmem>>
          %dma_start3A_534 = arith.constant 0 : i32
          %dma_start3A_535 = tpu.memref_slice %arg5[%add3A_527, %dma_start3A_534] : memref<128x50xi32, #tpu.memory_space<vmem>> -> memref<1x50xi32, #tpu.memory_space<vmem>>
          %dma_start3A_536 = tpu.memref_squeeze %dma_start3A_535 : memref<1x50xi32, #tpu.memory_space<vmem>> -> memref<50xi32, #tpu.memory_space<vmem>>
          %dma_start3A_537 = arith.constant 0 : i32
          %dma_start3A_538 = arith.constant 0 : i32
          %dma_start3A_539 = tpu.memref_slice %arg3[%dma_start3A_537, %dma_start3A_538] : memref<100000x56xf32, #tpu.memory_space<hbm>> -> memref<100000x56xf32, #tpu.memory_space<hbm>>
          tpu.enqueue_indirect_dma source(%dma_start3A_539 : memref<100000x56xf32, #tpu.memory_space<hbm>>) target(%dma_start3A_533 : memref<50x56xf32, #tpu.memory_space<vmem>>) offsets(%dma_start3A_536 : memref<50xi32, #tpu.memory_space<vmem>>) semaphore(%arg7 : memref<!tpu.dma_semaphore, #tpu.memory_space<semaphore_mem>>)
          %mul3A_540 = arith.constant 8 : i32
          %mul3A_541 = arith.muli %add3A_427, %mul3A_540 : i32
          %add3A_542 = arith.constant 7 : i32
          %add3A_543 = arith.addi %mul3A_541, %add3A_542 : i32
          %dma_start3A_544 = arith.constant 0 : i32
          %dma_start3A_545 = arith.constant 7 : i32
          %dma_start3A_546 = arith.constant 0 : i32
          %dma_start3A_547 = arith.constant 0 : i32
          %dma_start3A_548 = tpu.memref_slice %arg6[%dma_start3A_544, %dma_start3A_545, %dma_start3A_546, %dma_start3A_547] : memref<2x8x50x56xf32, #tpu.memory_space<vmem>> -> memref<1x1x50x56xf32, #tpu.memory_space<vmem>>
          %dma_start3A_549 = tpu.memref_squeeze %dma_start3A_548 : memref<1x1x50x56xf32, #tpu.memory_space<vmem>> -> memref<50x56xf32, #tpu.memory_space<vmem>>
          %dma_start3A_550 = arith.constant 0 : i32
          %dma_start3A_551 = tpu.memref_slice %arg5[%add3A_543, %dma_start3A_550] : memref<128x50xi32, #tpu.memory_space<vmem>> -> memref<1x50xi32, #tpu.memory_space<vmem>>
          %dma_start3A_552 = tpu.memref_squeeze %dma_start3A_551 : memref<1x50xi32, #tpu.memory_space<vmem>> -> memref<50xi32, #tpu.memory_space<vmem>>
          %dma_start3A_553 = arith.constant 0 : i32
          %dma_start3A_554 = arith.constant 0 : i32
          %dma_start3A_555 = tpu.memref_slice %arg3[%dma_start3A_553, %dma_start3A_554] : memref<100000x56xf32, #tpu.memory_space<hbm>> -> memref<100000x56xf32, #tpu.memory_space<hbm>>
          tpu.enqueue_indirect_dma source(%dma_start3A_555 : memref<100000x56xf32, #tpu.memory_space<hbm>>) target(%dma_start3A_549 : memref<50x56xf32, #tpu.memory_space<vmem>>) offsets(%dma_start3A_552 : memref<50xi32, #tpu.memory_space<vmem>>) semaphore(%arg7 : memref<!tpu.dma_semaphore, #tpu.memory_space<semaphore_mem>>)
        } else {
        }
        %mul3A_386 = arith.constant 8 : i32
        %mul3A_387 = arith.muli %add3A_120, %mul3A_386 : i32
        %add3A_388 = arith.addi %mul3A_2, %mul3A_387 : i32
        %dma_start3A_389 = arith.constant 1 : i32
        %dma_start3A_390 = arith.constant 0 : i32
        %dma_start3A_391 = arith.constant 0 : i32
        %dma_start3A_392 = arith.constant 0 : i32
        %dma_start3A_393 = tpu.memref_slice %arg6[%dma_start3A_389, %dma_start3A_390, %dma_start3A_391, %dma_start3A_392] : memref<2x8x50x56xf32, #tpu.memory_space<vmem>> -> memref<1x8x50x56xf32, #tpu.memory_space<vmem>>
        %dma_start3A_394 = tpu.memref_squeeze %dma_start3A_393 : memref<1x8x50x56xf32, #tpu.memory_space<vmem>> -> memref<8x50x56xf32, #tpu.memory_space<vmem>>
        %dma_start3A_395 = arith.constant 0 : i32
        %dma_start3A_396 = arith.constant 0 : i32
        %dma_start3A_397 = tpu.memref_slice %arg4[%add3A_388, %dma_start3A_395, %dma_start3A_396] : memref<4096x50x56xf32, #tpu.memory_space<hbm>> -> memref<8x50x56xf32, #tpu.memory_space<hbm>>
        %dma_start3A_398 = arith.constant 0 : i32
        %dma_start3A_399 = arith.constant 0 : i32
        %dma_start3A_400 = tpu.memref_slice %arg4[%add3A_388, %dma_start3A_398, %dma_start3A_399] : memref<4096x50x56xf32, #tpu.memory_space<hbm>> -> memref<8x50x56xf32, #tpu.memory_space<hbm>>
        %dma_start3A_401 = arith.constant 0 : i32
        %dma_start3A_402 = arith.constant 0 : i32
        %dma_start3A_403 = arith.constant 0 : i32
        %dma_start3A_404 = tpu.memref_slice %arg6[%dma_start3A_389, %dma_start3A_401, %dma_start3A_402, %dma_start3A_403] : memref<2x8x50x56xf32, #tpu.memory_space<vmem>> -> memref<1x8x50x56xf32, #tpu.memory_space<vmem>>
        %dma_start3A_405 = tpu.memref_squeeze %dma_start3A_404 : memref<1x8x50x56xf32, #tpu.memory_space<vmem>> -> memref<8x50x56xf32, #tpu.memory_space<vmem>>
        tpu.enqueue_dma source(%dma_start3A_405 : memref<8x50x56xf32, #tpu.memory_space<vmem>>) target(%dma_start3A_400 : memref<8x50x56xf32, #tpu.memory_space<hbm>>) target_semaphore(%arg10 : memref<!tpu.dma_semaphore, #tpu.memory_space<semaphore_mem>>)
        %mul3A_406 = arith.constant 8 : i32
        %mul3A_407 = arith.muli %add3A_120, %mul3A_406 : i32
        %add3A_408 = arith.addi %mul3A_2, %mul3A_407 : i32
        %dma_wait3A_409 = arith.constant 1 : i32
        %dma_wait3A_410 = arith.constant 0 : i32
        %dma_wait3A_411 = arith.constant 0 : i32
        %dma_wait3A_412 = arith.constant 0 : i32
        %dma_wait3A_413 = tpu.memref_slice %arg6[%dma_wait3A_409, %dma_wait3A_410, %dma_wait3A_411, %dma_wait3A_412] : memref<2x8x50x56xf32, #tpu.memory_space<vmem>> -> memref<1x8x50x56xf32, #tpu.memory_space<vmem>>
        %dma_wait3A_414 = tpu.memref_squeeze %dma_wait3A_413 : memref<1x8x50x56xf32, #tpu.memory_space<vmem>> -> memref<8x50x56xf32, #tpu.memory_space<vmem>>
        %dma_wait3A_415 = arith.constant 0 : i32
        %dma_wait3A_416 = arith.constant 0 : i32
        %dma_wait3A_417 = tpu.memref_slice %arg4[%add3A_408, %dma_wait3A_415, %dma_wait3A_416] : memref<4096x50x56xf32, #tpu.memory_space<hbm>> -> memref<8x50x56xf32, #tpu.memory_space<hbm>>
        %dma_wait3A_418 = arith.constant 0 : i32
        %dma_wait3A_419 = arith.constant 0 : i32
        %dma_wait3A_420 = tpu.memref_slice %arg4[%add3A_408, %dma_wait3A_418, %dma_wait3A_419] : memref<4096x50x56xf32, #tpu.memory_space<hbm>> -> memref<8x50x56xf32, #tpu.memory_space<hbm>>
        %dma_wait3A_421 = arith.constant 0 : i32
        %dma_wait3A_422 = arith.constant 0 : i32
        %dma_wait3A_423 = arith.constant 0 : i32
        %dma_wait3A_424 = tpu.memref_slice %arg6[%dma_wait3A_409, %dma_wait3A_421, %dma_wait3A_422, %dma_wait3A_423] : memref<2x8x50x56xf32, #tpu.memory_space<vmem>> -> memref<1x8x50x56xf32, #tpu.memory_space<vmem>>
        %dma_wait3A_425 = tpu.memref_squeeze %dma_wait3A_424 : memref<1x8x50x56xf32, #tpu.memory_space<vmem>> -> memref<8x50x56xf32, #tpu.memory_space<vmem>>
        tpu.wait_dma2 semaphore(%arg10 : memref<!tpu.dma_semaphore, #tpu.memory_space<semaphore_mem>>) src(%dma_wait3A_425 : memref<8x50x56xf32, #tpu.memory_space<vmem>>) dst(%dma_wait3A_420 : memref<8x50x56xf32, #tpu.memory_space<hbm>>)
      } else {
      }
      %ge3A = arith.constant 16 : i32
      %ge3A_251 = arith.cmpi sge, %add3A_120, %ge3A : i32
      %convert_element_type3A_252 = arith.extui %ge3A_251 : i1 to i32
      %cond3A_253 = arith.constant 0 : i32
      %cond3A_254 = arith.cmpi ne, %convert_element_type3A_252, %cond3A_253 : i32
      scf.if %cond3A_254 {
        %mul3A_255 = arith.constant 8 : i32
        %mul3A_256 = arith.muli %mul3A_116, %mul3A_255 : i32
        %add3A_257 = arith.addi %mul3A_2, %mul3A_256 : i32
        %dma_wait3A_258 = arith.constant 0 : i32
        %dma_wait3A_259 = arith.constant 0 : i32
        %dma_wait3A_260 = arith.constant 0 : i32
        %dma_wait3A_261 = arith.constant 0 : i32
        %dma_wait3A_262 = tpu.memref_slice %arg6[%dma_wait3A_258, %dma_wait3A_259, %dma_wait3A_260, %dma_wait3A_261] : memref<2x8x50x56xf32, #tpu.memory_space<vmem>> -> memref<1x8x50x56xf32, #tpu.memory_space<vmem>>
        %dma_wait3A_263 = tpu.memref_squeeze %dma_wait3A_262 : memref<1x8x50x56xf32, #tpu.memory_space<vmem>> -> memref<8x50x56xf32, #tpu.memory_space<vmem>>
        %dma_wait3A_264 = arith.constant 0 : i32
        %dma_wait3A_265 = arith.constant 0 : i32
        %dma_wait3A_266 = tpu.memref_slice %arg4[%add3A_257, %dma_wait3A_264, %dma_wait3A_265] : memref<4096x50x56xf32, #tpu.memory_space<hbm>> -> memref<8x50x56xf32, #tpu.memory_space<hbm>>
        %dma_wait3A_267 = arith.constant 0 : i32
        %dma_wait3A_268 = arith.constant 0 : i32
        %dma_wait3A_269 = tpu.memref_slice %arg4[%add3A_257, %dma_wait3A_267, %dma_wait3A_268] : memref<4096x50x56xf32, #tpu.memory_space<hbm>> -> memref<8x50x56xf32, #tpu.memory_space<hbm>>
        %dma_wait3A_270 = arith.constant 0 : i32
        %dma_wait3A_271 = arith.constant 0 : i32
        %dma_wait3A_272 = arith.constant 0 : i32
        %dma_wait3A_273 = tpu.memref_slice %arg6[%dma_wait3A_258, %dma_wait3A_270, %dma_wait3A_271, %dma_wait3A_272] : memref<2x8x50x56xf32, #tpu.memory_space<vmem>> -> memref<1x8x50x56xf32, #tpu.memory_space<vmem>>
        %dma_wait3A_274 = tpu.memref_squeeze %dma_wait3A_273 : memref<1x8x50x56xf32, #tpu.memory_space<vmem>> -> memref<8x50x56xf32, #tpu.memory_space<vmem>>
        tpu.wait_dma2 semaphore(%arg9 : memref<!tpu.dma_semaphore, #tpu.memory_space<semaphore_mem>>) src(%dma_wait3A_274 : memref<8x50x56xf32, #tpu.memory_space<vmem>>) dst(%dma_wait3A_269 : memref<8x50x56xf32, #tpu.memory_space<hbm>>)
      } else {
      }
    }
    %scan3A_109 = arith.constant 8 : i32
    return
  }
}

</mosaic_0001>

<sc_bundles>
// kernel: _run.3.cloned.1.call-start
scs
__scs_entry_jumppad:
0x0: {  	(pc) =	sbr.rel $0x88, $3  }
0x1: {  	(tag) =	ssettag $0x0;
	lr =	simm.s32 $0x1  }
0x2: {  	[smem:$0x3F9F] =	sst lr;
	_ =	strace $0xD0000000  }
0x3: {  	_ = 	snop  }
0x4: {  	_ = 	snop  }
0x5: {  	_ = 	snop  }
0x6: {  	_ = 	snop  }
0x7: {  	_ = 	snop  }
__scs_overlays_trampoline_lowered:
0x8: {  	[smem:$0x3FAE] =	sst s0  }
0x9: {  	[smem:$0x3FAF] =	sst s1  }
0xa: {  	[smem:$0x3FB0] =	sst s2  }
0xb: {  	[smem:$0x3FB1] =	sst s3  }
0xc: {  	[smem:$0x3FB2] =	sst s4  }
0xd: {  	[smem:$0x3FB3] =	sst s5  }
0xe: {  	[smem:$0x3FB4] =	sst s6  }
0xf: {  	[smem:$0x3FB5] =	sst s7  }
0x10: {  	[smem:$0x3FB6] =	sst s8  }
0x11: {  	[smem:$0x3FB7] =	sst s9;
	s0 =	simm.s32 @!p0 $0x0  }
0x12: {  	s1 =	sld [smem:$0x3F9D];
	s0 =	simm.s32 @p0 $0x1  }
0x13: {  	[smem:$0x3FB8] =	sst s0;
	s0 =	simm.s32 @!p1 $0x0  }
0x14: {  	s2 =	sld [smem:$0x3F9C];
	s0 =	simm.s32 @p1 $0x1  }
0x15: {  	[smem:$0x3FB9] =	sst s0;
	s0 =	simm.s32 @!p2 $0x0  }
0x16: {  	s3 =	sld [smem:$0x3FDB];
	s0 =	simm.s32 @p2 $0x1  }
0x17: {  	s4 =	simm.s32 $0x1BF5;
	[smem:$0x3FBB] =	sst s0  }
0x18: {  	s0 =	sld [smem:$0x3F9E];
	_ =	swait.ge [sflag:s4], $0x0  }
0x19: {  	s7 =	sld [smem:$0x3F9F]  }
0x1a: {  	s8 =	sadd.s32 $0xFFFFE003, lr  }
0x1b: {  	s9 =	sadd.s32 $0xFFFFFEF7, lr;
	s5 =	simm.s32 $0xFFFFFFFF;
	p2 =	slt.u32 s8, $0xFFFFF086  }
0x1c: {  	p1 =	slt.u32 s9, $0xF7A;
	s5 =	simm.s32 @!p2 $0x0  }
0x1d: {  	s5 =	simm.s32 @p1 $0x1;
	p0 =	seq.s32 s7, s2  }
0x1e: {  	s7 =	smul.u32 @!p0 $0xF7A, s2;
	p2 =	seq.s32 @!p0 s5, $0x0  }
0x1f: {  	s9 =	smul.u32 $0xF7A, s1;
	s8 =	simm.s32 @!p0 $0x1BF5;
	p2 =	por !p2, p0  }
0x20: {  	[sflag:s8] =	ssyncset.s32 @!p0 $0xFFFFF086;
	s6 =	sadd.s32 @!p0 s3, s7;
	s7 =	simm.s32 @!p0 $0x108  }
0x21: {  	s3 =	sadd.s32 s3, s9;
	s6 =	sadd.s32 @!p0 $0x88, s6;
	s7 =	simm.s32 @p2 $0x1082  }
0x22: {  	[simem:s7], [sflag:s8] =	dma.local @!p0 [hbm:s6], $0xF7A  }
0x23: {  	s9 =	sor.u32 $0xD0000000, s2;
	s6 =	simm.s32 $0x108;
	_ =	swait.ge @!p0 [sflag:s8], $0x0  }
0x24: {  	s3 =	sadd.s32 $0x88, s3;
	s6 =	simm.s32 @!p1 $0x1082;
	[sflag:s4] =	ssyncset.s32 $0xFFFFF086  }
0x25: {  	[simem:s6], [sflag:s4] =	dma.local [hbm:s3], $0xF7A  }
0x26: {  	[smem:$0x3F9F] =	sst s1;
	(tag) =	ssettag s2;
	_ =	strace s9  }
0x27: {  	s1 =	sld [smem:$0x3FAF]  }
0x28: {  	s2 =	sld [smem:$0x3FB0]  }
0x29: {  	s4 =	sld [smem:$0x3FB2]  }
0x2a: {  	p0 =	seq.s32 s5, $0x0;
	s5 =	sld [smem:$0x3FB3]  }
0x2b: {  	s6 =	sld [smem:$0x3FB4]  }
0x2c: {  	s7 =	sld [smem:$0x3FB5]  }
0x2d: {  	s3 =	simm.s32 $0x108;
	s8 =	sld [smem:$0x3FB6]  }
0x2e: {  	s3 =	simm.s32 @!p0 $0x1082;
	s9 =	sld [smem:$0x3FB7]  }
0x2f: {  	lr =	sadd.s32 s0, s3;
	s0 =	sld [smem:$0x3FAE]  }
0x30: {  	s3 =	sld [smem:$0x3FB1]  }
0x31: {  	[smem:$0x3FBA] =	sst s10  }
0x32: {  	s10 =	sld [smem:$0x3FB8];
	_ =	sdelay $0x3  }
0x33: {  	p0 =	seq.s32 s10, $0x1;
	s10 =	sld [smem:$0x3FBA];
	_ =	sdelay $0x3  }
0x34: {  	[smem:$0x3FBA] =	sst s10  }
0x35: {  	s10 =	sld [smem:$0x3FB9];
	_ =	sdelay $0x3  }
0x36: {  	p1 =	seq.s32 s10, $0x1;
	s10 =	sld [smem:$0x3FBA];
	_ =	sdelay $0x3  }
0x37: {  	[smem:$0x3FBA] =	sst s10  }
0x38: {  	s10 =	sld [smem:$0x3FBB]  }
0x39: {  	_ = 	snop;
	(pc) =	sbr.ind lr, $3  }
0x3a: {  	_ = 	snop  }
0x3b: {  	_ = 	snop  }
0x3c: {  	p2 =	seq.s32 s10, $0x1;
	s10 =	sld [smem:$0x3FBA]  }
0x3d: {  	_ =	shalt  }
0x3e: {  	_ =	shalt  }
0x3f: {  	_ =	shalt  }
0x40: {  	_ =	shalt  }
0x41: {  	_ =	shalt  }
0x42: {  	_ =	shalt  }
0x43: {  	_ =	shalt  }
0x44: {  	_ =	shalt  }
0x45: {  	_ =	shalt  }
0x46: {  	_ =	shalt  }
0x47: {  	_ =	shalt  }
0x48: {  	_ =	shalt  }
0x49: {  	_ =	shalt  }
0x4a: {  	_ =	shalt  }
0x4b: {  	_ =	shalt  }
0x4c: {  	_ =	shalt  }
0x4d: {  	_ =	shalt  }
0x4e: {  	_ =	shalt  }
0x4f: {  	_ =	shalt  }
0x50: {  	_ =	shalt  }
0x51: {  	_ =	shalt  }
0x52: {  	_ =	shalt  }
0x53: {  	_ =	shalt  }
0x54: {  	_ =	shalt  }
0x55: {  	_ =	shalt  }
0x56: {  	_ =	shalt  }
0x57: {  	_ =	shalt  }
0x58: {  	_ =	shalt  }
0x59: {  	_ =	shalt  }
0x5a: {  	_ =	shalt  }
0x5b: {  	_ =	shalt  }
0x5c: {  	_ =	shalt  }
0x5d: {  	_ =	shalt  }
0x5e: {  	_ =	shalt  }
0x5f: {  	_ =	shalt  }
0x60: {  	_ =	shalt  }
0x61: {  	_ =	shalt  }
0x62: {  	_ =	shalt  }
0x63: {  	_ =	shalt  }
0x64: {  	_ =	shalt  }
0x65: {  	_ =	shalt  }
0x66: {  	_ =	shalt  }
0x67: {  	_ =	shalt  }
0x68: {  	_ =	shalt  }
0x69: {  	_ =	shalt  }
0x6a: {  	_ =	shalt  }
0x6b: {  	_ =	shalt  }
0x6c: {  	_ =	shalt  }
0x6d: {  	_ =	shalt  }
0x6e: {  	_ =	shalt  }
0x6f: {  	_ =	shalt  }
0x70: {  	_ =	shalt  }
0x71: {  	_ =	shalt  }
0x72: {  	_ =	shalt  }
0x73: {  	_ =	shalt  }
0x74: {  	_ =	shalt  }
0x75: {  	_ =	shalt  }
0x76: {  	_ =	shalt  }
0x77: {  	_ =	shalt  }
0x78: {  	_ =	shalt  }
0x79: {  	_ =	shalt  }
0x7a: {  	_ =	shalt  }
0x7b: {  	_ =	shalt  }
0x7c: {  	_ =	shalt  }
0x7d: {  	_ =	shalt  }
0x7e: {  	_ =	shalt  }
0x7f: {  	_ =	shalt  }
0x80: {  	_ =	shalt  }
0x81: {  	_ =	shalt  }
0x82: {  	_ =	shalt  }
0x83: {  	_ =	shalt  }
0x84: {  	_ =	shalt  }
0x85: {  	_ =	shalt  }
0x86: {  	_ =	shalt  }
0x87: {  	_ =	shalt  }
.Lfunc_end0:
.L_simem_size_0:
called_computation.1_lowered:
.L_overlay_start_0:
0x88: {  	s2 =	sld [smem:$0x3FD9]  }
0x89: {  	s3 =	sld [smem:$0x3FFE];
	_ =	sdelay $0x1  }
0x8a: {  	s1 =	srdreg.scid  }
0x8b: {  	s0 =	sand.u32 $0x1, s1  }
0x8c: {  	s17 =	sshll.u32 s0, $0xA;
	s2 =	sadd.s32 s3, s2  }
0x8d: {  	s2 =	sadd.s32 s2, s17  }
0x8e: {  	[smem:$0x3FC6] =	sst s2  }
0x8f: {  	_ = 	snop  }
0x90: {  	s2 =	sld [smem:$0x3FD0];
	(tm) =	ssettm $0x1  }
0x91: {  	s18 =	sld [smem:$0x3FFB];
	_ =	sdelay $0x3  }
0x92: {  	_ =	strace s18  }
0x93: {  	s3 =	sld [smem:$0x3FFC];
	_ =	sdelay $0x3  }
0x94: {  	_ =	strace s3  }
0x95: {  	s3 =	sld [smem:$0x3FFD];
	_ =	sdelay $0x3  }
0x96: {  	_ =	strace s3  }
0x97: {  	_ =	strace $0x8FFFFFFF  }
0x98: {  	s19 =	sld [smem:$0x3FDB];
	_ =	sdelay $0x1  }
0x99: {  	s4 =	simm.s32 $_scs_section_size  }
0x9a: {  	s5 =	simm.s32 $_size__tile_overlayer_lowered;
	s6 =	simm.s32 $_tile_overlayer_lowered  }
0x9b: {  	s22 =	simm.s32 $0x1BFF;
	s21 =	sshll.u32 s6, $0x1;
	s3 =	sadd.s32 s4, s19  }
0x9c: {  	s7 =	simm.s32 $0x0;
	s20 =	sshll.u32 s5, $0x1;
	s5 =	sadd.s32 s21, s3  }
0x9d: {  	[timem:s7], [sflag:s22] =	dma.local [hbm:s5], s20  }
0x9e: {  	_ =	swait.ge [sflag:s22], s20  }
0x9f: {  	s4 =	ssub.s32 $0x0, s20;
	[sflag:s22] =	ssyncset.done $0x0  }
0xa0: {  	[sflag:s22] =	ssyncadd.s32 s4;
	_ =	sdelay $0x1  }
0xa1: {  	s23 =	simm.s32 $0x1B8B  }
0xa2: {  	_ =	swait.ge [sflag:s23], $0x1  }
0xa3: {  	[sflag:s23] =	ssyncset.done $0x0  }
0xa4: {  	s25 =	simm.s32 $0x1B8E;
	s24 =	sld [smem:$0x3FFE];
	[sflag:s23] =	ssyncadd.s32 $0xFFFFFFFF  }
0xa5: {  	s26 =	simm.s32 $execute0_lowered;
	[smem:$0x3FD2] =	sst s25  }
0xa6: {  	s5 =	sshll.u32 s26, $0x1;
	_ =	strace $0x80000046;
	[dreg:$0x1] =	wrdreg $0xFFFFFFFF  }
0xa7: {  	s28 =	simm.s32 $_size_execute0_lowered;
	s3 =	sadd.s32 s3, s5;
	[dreg:$0x0] =	wrdreg $0x0  }
0xa8: {  	s5 =	sshll.u32 s28, $0x1;
	[dreg:$0x2] =	wrdreg s3  }
0xa9: {  	[dreg:$0x3] =	wrdreg s5  }
0xaa: {  	[dreg:$0x4] =	wrdreg $0xC0  }
0xab: {  	_ =	task [dreg:s7], $0x5FFFF  }
0xac: {  	[dreg:$0x1] =	wrdreg $0xFFFFFFFF  }
0xad: {  	[dreg:$0x0] =	wrdreg $0x60  }
0xae: {  	[dreg:$0x2] =	wrdreg s24  }
0xaf: {  	[dreg:$0x3] =	wrdreg s2  }
0xb0: {  	[dreg:$0x4] =	wrdreg $0x9  }
0xb1: {  	_ =	task.clear_ibuf [dreg:s7], $0x5FFFF;
	_ =	strace $0x90000046  }
0xb2: {  	s29 =	simm.s32 $0x9;
	_ =	strace $0x80000048  }
0xb3: {  	_ =	swait.ge [sflag:s29], $0x1  }
0xb4: {  	[sflag:s29] =	ssyncadd.s32 $0xFFFFFFFF  }
0xb5: {  	_ =	strace $0x90000048  }
0xb6: {  	_ =	sfence  }
0xb7: {  	s30 =	sld [smem:$0x0];
	_ =	sdelay $0x2  }
0xb8: {  	s31 =	sshll.u32 s1, $0xD;
	s1 =	sshrl.u32 s1, $0x2  }
0xb9: {  	s3 =	sand.u32 $0x4000, s31;
	s1 =	sadd.s32 s1, s30  }
0xba: {  	s0 =	sor.u32 s3, s0;
	s1 =	sshll.u32 s1, $0x11  }
0xbb: {  	s0 =	sor.u32 s1, s0  }
0xbc: {  	s0 =	sadd.s32 $0x8F2B, s0  }
0xbd: {  	[sflag:s0] =	ssyncadd.remote.s32 $0x1  }
0xbe: {  	_ =	sfence.sel $0xFFFF  }
0xbf: {  	[dreg:$0x0] =	wrdreg $0xFFFFFFFF;
	(pc) =	sbr.abs _section_cstart, $3  }
0xc0: {  	[dreg:$0x1] =	wrdreg $0xFFFFFFFF  }
0xc1: {  	_ =	task.clear_ibuf [dreg:s7], $0x2FFFF;
	_ =	strace $0x9FFFFFFF  }
0xc2: {  	(tm) =	ssettm $0x7FFFFFFF  }
0xc3: {  	_ =	shalt  }
tec
execute0_lowered:
.L_overlay_start_1:
0x0: {  	(tag) =	ssettag $0x1  }
0x1: {  	s0 =	srdreg.scid;
	s1 =	rddreg [dreg:$0x0]  }
0x2: {  	s7 =	stileid.u32;
	s5 =	rddreg [dreg:$0x1];
	s2 =	simm.s32 $0x0  }
0x3: {  	s8 =	simm.s32 $0x32;
	s9 =	simm.s32 $0x1C00;
	s17 =	simm.s32 $0x47C0  }
0x4: {  	s21 =	simm.s32 $0x7E70;
	s22 =	simm.s32 $0x8960;
	s23 =	simm.s32 $0x9450  }
0x5: {  	s24 =	simm.s32 $0x9F40;
	s25 =	simm.s32 $0xAA30;
	s26 =	simm.s32 $0xB520  }
0x6: {  	s31 =	simm.s32 $0xC010;
	s28 =	simm.s32 $0x3;
	[smem:$0x7FF] =	sst s2  }
0x7: {  	s29 =	simm.s32 $0x4;
	_ =	strace $0x80000047;
	[dreg:$0x3] =	wrdreg s21  }
0x8: {  	s30 =	simm.s32 $0x0;
	s0 =	sand.u32 $0x1, s0;
	[dreg:$0x4] =	wrdreg s22  }
0x9: {  	s3 =	sshll.u32 s7, $0x8;
	s7 =	smul.u32 $0x15E00, s7;
	[dreg:$0x5] =	wrdreg s23  }
0xa: {  	s4 =	sshll.u32 s0, $0x7;
	s6 =	ssub.s32 $0x2, s0;
	[dreg:$0x6] =	wrdreg s24  }
0xb: {  	s0 =	smul.u32 $0xAF00, s0;
	s21 =	simm.s32 $0x5DA0;
	[dreg:$0x7] =	wrdreg s25  }
0xc: {  	s22 =	simm.s32 $0x188;
	s23 =	simm.s32 $0x6890;
	[dreg:$0x8] =	wrdreg s26  }
0xd: {  	s24 =	simm.s32 $0x7380;
	[dreg:$0x9] =	wrdreg s31;
	s3 =	sor.u32 s4, s3  }
0xe: {  	s25 =	simm.s32 $0x1;
	s26 =	simm.s32 $0x2;
	s3 =	smul.u32 $0x7, s3  }
0xf: {  	s19 =	sshrl.u32 s6, $0x1;
	s20 =	sadd.s32 s7, s5;
	s7 =	simm.s32 $0x5  }
0x10: {  	s18 =	sadd.s32 s3, s1;
	s3 =	sadd.s32 $0x18E200, s1;
	s1 =	ssub.s32 s6, s19  }
0x11: {  	s6 =	sadd.s32 s0, s20;
	s19 =	simm.s32 $0x52B0;
	s20 =	simm.s32 $0x150  }
0x12: {  	s4 =	sadd.s32 $0x800, s18;
	s5 =	smax.u32 s1, $0x1;
	s18 =	simm.s32 $0x118  }
.LBB2_1:
0x13: {  	[tilespmem:s2], [sflag:$0x5] =	stream.linear.gather [hbm4b:s4+s2], $0x1C00, $0x38;
	[tilespmem:$0xCB00] =	vst v63  }
0x14: {  	_ =	swait.ge [sflag:s7], $0x1C00  }
0x15: {  	[sflag:s7] =	ssyncset.done $0x0  }
0x16: {  	[sflag:s7] =	ssyncadd.s32 $0xFFFFE400  }
0x17: {  	[tilespmem:s9], [sflag:$0x1] =	stream.indirect.gather [hbm4b:s3+s8], $0x38, s2, s8, $0xb8;
	[tilespmem:$0xCB00] =	vst v63  }
0x18: {  	s0 =	simm.s32 $0x38;
	s1 =	simm.s32 $0x26F0  }
0x19: {  	[tilespmem:s1], [sflag:$0x1] =	stream.indirect.gather [hbm4b:s3+s8], $0x38, s0, s8, $0xb8;
	[tilespmem:$0xCB00] =	vst v63  }
0x1a: {  	s10 =	simm.s32 $0x31E0;
	s1 =	simm.s32 $0x70  }
0x1b: {  	[tilespmem:s10], [sflag:$0x1] =	stream.indirect.gather [hbm4b:s3+s8], $0x38, s1, s8, $0xb8;
	[tilespmem:$0xCB00] =	vst v63  }
0x1c: {  	s11 =	simm.s32 $0xA8;
	s12 =	simm.s32 $0x3CD0  }
0x1d: {  	[tilespmem:s12], [sflag:$0x1] =	stream.indirect.gather [hbm4b:s3+s8], $0x38, s11, s8, $0xb8;
	[tilespmem:$0xCB00] =	vst v63  }
0x1e: {  	s13 =	simm.s32 $0xE0  }
0x1f: {  	[tilespmem:s17], [sflag:$0x1] =	stream.indirect.gather [hbm4b:s3+s8], $0x38, s13, s8, $0xb8;
	[tilespmem:$0xCB00] =	vst v63  }
0x20: {  	_ = 	snop  }
0x21: {  	[tilespmem:s19], [sflag:$0x1] =	stream.indirect.gather [hbm4b:s3+s8], $0x38, s18, s8, $0xb8;
	[tilespmem:$0xCB00] =	vst v63  }
0x22: {  	_ = 	snop  }
0x23: {  	[tilespmem:s21], [sflag:$0x1] =	stream.indirect.gather [hbm4b:s3+s8], $0x38, s20, s8, $0xb8;
	[tilespmem:$0xCB00] =	vst v63  }
0x24: {  	_ = 	snop  }
0x25: {  	[tilespmem:s23], [sflag:$0x1] =	stream.indirect.gather [hbm4b:s3+s8], $0x38, s22, s8, $0xb8;
	[tilespmem:$0xCB00] =	vst v63  }
0x26: {  	s14 =	simm.s32 $0x1C0  }
0x27: {  	[tilespmem:s24], [sflag:$0x2] =	stream.indirect.gather [hbm4b:s3+s8], $0x38, s14, s8, $0xb8;
	[tilespmem:$0xCB00] =	vst v63  }
0x28: {  	s16 =	simm.s32 $0x1F8;
	s15 =	rddreg [dreg:$0x3]  }
0x29: {  	[tilespmem:s15], [sflag:$0x2] =	stream.indirect.gather [hbm4b:s3+s8], $0x38, s16, s8, $0xb8;
	[tilespmem:$0xCB00] =	vst v63  }
0x2a: {  	s10 =	rddreg [dreg:$0x4];
	s11 =	simm.s32 $0x230  }
0x2b: {  	[tilespmem:s10], [sflag:$0x2] =	stream.indirect.gather [hbm4b:s3+s8], $0x38, s11, s8, $0xb8;
	[tilespmem:$0xCB00] =	vst v63  }
0x2c: {  	s12 =	rddreg [dreg:$0x5];
	s13 =	simm.s32 $0x268  }
0x2d: {  	[tilespmem:s12], [sflag:$0x2] =	stream.indirect.gather [hbm4b:s3+s8], $0x38, s13, s8, $0xb8;
	[tilespmem:$0xCB00] =	vst v63  }
0x2e: {  	s14 =	rddreg [dreg:$0x6];
	s15 =	simm.s32 $0x2A0  }
0x2f: {  	[tilespmem:s14], [sflag:$0x2] =	stream.indirect.gather [hbm4b:s3+s8], $0x38, s15, s8, $0xb8;
	[tilespmem:$0xCB00] =	vst v63  }
0x30: {  	s16 =	rddreg [dreg:$0x7];
	s11 =	simm.s32 $0x2D8  }
0x31: {  	[tilespmem:s16], [sflag:$0x2] =	stream.indirect.gather [hbm4b:s3+s8], $0x38, s11, s8, $0xb8;
	[tilespmem:$0xCB00] =	vst v63  }
0x32: {  	s12 =	rddreg [dreg:$0x8];
	s13 =	simm.s32 $0x310  }
0x33: {  	[tilespmem:s12], [sflag:$0x2] =	stream.indirect.gather [hbm4b:s3+s8], $0x38, s13, s8, $0xb8;
	[tilespmem:$0xCB00] =	vst v63  }
0x34: {  	s14 =	rddreg [dreg:$0x9];
	s15 =	simm.s32 $0x348  }
0x35: {  	[tilespmem:s14], [sflag:$0x2] =	stream.indirect.gather [hbm4b:s3+s8], $0x38, s15, s8, $0xb8;
	[tilespmem:$0xCB00] =	vst v63  }
0x36: {  	_ =	swait.ge [sflag:s25], $0xAF0  }
0x37: {  	[sflag:s25] =	ssyncset.done $0x0  }
0x38: {  	[sflag:s25] =	ssyncadd.s32 $0xFFFFF510  }
0x39: {  	_ =	swait.ge [sflag:s25], $0xAF0  }
0x3a: {  	[sflag:s25] =	ssyncset.done $0x0  }
0x3b: {  	[sflag:s25] =	ssyncadd.s32 $0xFFFFF510  }
0x3c: {  	_ =	swait.ge [sflag:s25], $0xAF0  }
0x3d: {  	[sflag:s25] =	ssyncset.done $0x0  }
0x3e: {  	[sflag:s25] =	ssyncadd.s32 $0xFFFFF510  }
0x3f: {  	_ =	swait.ge [sflag:s25], $0xAF0  }
0x40: {  	[sflag:s25] =	ssyncset.done $0x0  }
0x41: {  	[sflag:s25] =	ssyncadd.s32 $0xFFFFF510  }
0x42: {  	_ =	swait.ge [sflag:s25], $0xAF0  }
0x43: {  	[sflag:s25] =	ssyncset.done $0x0  }
0x44: {  	[sflag:s25] =	ssyncadd.s32 $0xFFFFF510  }
0x45: {  	_ =	swait.ge [sflag:s25], $0xAF0  }
0x46: {  	[sflag:s25] =	ssyncset.done $0x0  }
0x47: {  	[sflag:s25] =	ssyncadd.s32 $0xFFFFF510  }
0x48: {  	_ =	swait.ge [sflag:s25], $0xAF0  }
0x49: {  	[sflag:s25] =	ssyncset.done $0x0  }
0x4a: {  	[sflag:s25] =	ssyncadd.s32 $0xFFFFF510  }
0x4b: {  	_ =	swait.ge [sflag:s25], $0xAF0  }
0x4c: {  	[sflag:s25] =	ssyncset.done $0x0  }
0x4d: {  	[sflag:s25] =	ssyncadd.s32 $0xFFFFF510  }
0x4e: {  	[hbm4b:s6+s2] =	stream.linear.scatter [tilespmem:s9], [sflag:$0x3], $0x5780, $0x38;
	[tilespmem:$0xCB00] =	vst v63  }
0x4f: {  	_ =	swait.ge [sflag:s26], $0xAF0  }
0x50: {  	[sflag:s26] =	ssyncset.done $0x0  }
0x51: {  	[sflag:s26] =	ssyncadd.s32 $0xFFFFF510  }
0x52: {  	_ =	swait.ge [sflag:s26], $0xAF0  }
0x53: {  	[sflag:s26] =	ssyncset.done $0x0  }
0x54: {  	[sflag:s26] =	ssyncadd.s32 $0xFFFFF510  }
0x55: {  	_ =	swait.ge [sflag:s26], $0xAF0  }
0x56: {  	[sflag:s26] =	ssyncset.done $0x0  }
0x57: {  	[sflag:s26] =	ssyncadd.s32 $0xFFFFF510  }
0x58: {  	_ =	swait.ge [sflag:s26], $0xAF0  }
0x59: {  	[sflag:s26] =	ssyncset.done $0x0  }
0x5a: {  	[sflag:s26] =	ssyncadd.s32 $0xFFFFF510  }
0x5b: {  	_ =	swait.ge [sflag:s26], $0xAF0  }
0x5c: {  	[sflag:s26] =	ssyncset.done $0x0  }
0x5d: {  	[sflag:s26] =	ssyncadd.s32 $0xFFFFF510  }
0x5e: {  	_ =	swait.ge [sflag:s26], $0xAF0  }
0x5f: {  	[sflag:s26] =	ssyncset.done $0x0  }
0x60: {  	[sflag:s26] =	ssyncadd.s32 $0xFFFFF510  }
0x61: {  	_ =	swait.ge [sflag:s26], $0xAF0  }
0x62: {  	[sflag:s26] =	ssyncset.done $0x0  }
0x63: {  	[sflag:s26] =	ssyncadd.s32 $0xFFFFF510  }
0x64: {  	_ =	swait.ge [sflag:s26], $0xAF0  }
0x65: {  	[sflag:s26] =	ssyncset.done $0x0  }
0x66: {  	[sflag:s26] =	ssyncadd.s32 $0xFFFFF510  }
0x67: {  	p0 =	por $0x0, $0x0;
	_ =	swait.ge [sflag:s28], $0x5780  }
0x68: {  	s0 =	simm.s32 @!p0 $0x1C00;
	[sflag:s28] =	ssyncset.done $0x0  }
0x69: {  	s1 =	simm.s32 @!p0 $0x380;
	s10 =	simm.s32 @!p0 $0x32;
	[sflag:s28] =	ssyncadd.s32 $0xFFFFA880  }
0x6a: {  	[tilespmem:s0], [sflag:$0x1] =	stream.indirect.gather @!p0 [hbm4b:s3+s10], $0x38, s1, s10, $0xb8;
	[tilespmem:$0xCB00] =	vst v63  }
0x6b: {  	s0 =	simm.s32 @!p0 $0x3B8;
	s1 =	simm.s32 @!p0 $0x26F0  }
0x6c: {  	[tilespmem:s1], [sflag:$0x1] =	stream.indirect.gather @!p0 [hbm4b:s3+s10], $0x38, s0, s10, $0xb8;
	[tilespmem:$0xCB00] =	vst v63  }
0x6d: {  	s0 =	simm.s32 @!p0 $0x3F0;
	s1 =	simm.s32 @!p0 $0x31E0  }
0x6e: {  	[tilespmem:s1], [sflag:$0x1] =	stream.indirect.gather @!p0 [hbm4b:s3+s10], $0x38, s0, s10, $0xb8;
	[tilespmem:$0xCB00] =	vst v63  }
0x6f: {  	s0 =	simm.s32 @!p0 $0x428;
	s1 =	simm.s32 @!p0 $0x3CD0  }
0x70: {  	[tilespmem:s1], [sflag:$0x1] =	stream.indirect.gather @!p0 [hbm4b:s3+s10], $0x38, s0, s10, $0xb8;
	[tilespmem:$0xCB00] =	vst v63  }
0x71: {  	s0 =	simm.s32 @!p0 $0x460;
	s1 =	simm.s32 @!p0 $0x47C0  }
0x72: {  	[tilespmem:s1], [sflag:$0x1] =	stream.indirect.gather @!p0 [hbm4b:s3+s10], $0x38, s0, s10, $0xb8;
	[tilespmem:$0xCB00] =	vst v63  }
0x73: {  	s0 =	simm.s32 @!p0 $0x498;
	s1 =	simm.s32 @!p0 $0x52B0  }
0x74: {  	[tilespmem:s1], [sflag:$0x1] =	stream.indirect.gather @!p0 [hbm4b:s3+s10], $0x38, s0, s10, $0xb8;
	[tilespmem:$0xCB00] =	vst v63  }
0x75: {  	s0 =	simm.s32 @!p0 $0x4D0;
	s1 =	simm.s32 @!p0 $0x5DA0  }
0x76: {  	[tilespmem:s1], [sflag:$0x1] =	stream.indirect.gather @!p0 [hbm4b:s3+s10], $0x38, s0, s10, $0xb8;
	[tilespmem:$0xCB00] =	vst v63  }
0x77: {  	s0 =	simm.s32 @!p0 $0x508;
	s1 =	simm.s32 @!p0 $0x6890  }
0x78: {  	[tilespmem:s1], [sflag:$0x1] =	stream.indirect.gather @!p0 [hbm4b:s3+s10], $0x38, s0, s10, $0xb8;
	[tilespmem:$0xCB00] =	vst v63  }
0x79: {  	s16 =	sadd.s32 $0xAF0, s6  }
0x7a: {  	[hbm4b:s16+s2] =	stream.linear.scatter [tilespmem:s24], [sflag:$0x4], $0x5780, $0x38;
	[tilespmem:$0xCB00] =	vst v63  }
0x7b: {  	s31 =	sadd.s32 $0x15E0, s6;
	_ =	swait.ge [sflag:s29], $0x5780  }
0x7c: {  	s1 =	simm.s32 $0xE00;
	s0 =	simm.s32 $0x1C00;
	[sflag:s29] =	ssyncset.done $0x0  }
.LBB2_2:
0x7d: {  	s11 =	sshra.s32 s1, $0x2  }
0x7e: {  	[sflag:s29] =	ssyncadd.s32 $0xFFFFA880;
	s12 =	sadd.s32 $0x1C0, s11  }
0x7f: {  	[tilespmem:s24], [sflag:$0x2] =	stream.indirect.gather [hbm4b:s3+s8], $0x38, s12, s8, $0xb8;
	[tilespmem:$0xCB00] =	vst v63  }
0x80: {  	s13 =	rddreg [dreg:$0x3];
	s16 =	sadd.s32 $0x1F8, s11  }
0x81: {  	[tilespmem:s13], [sflag:$0x2] =	stream.indirect.gather [hbm4b:s3+s8], $0x38, s16, s8, $0xb8;
	[tilespmem:$0xCB00] =	vst v63  }
0x82: {  	s14 =	rddreg [dreg:$0x4];
	s15 =	sadd.s32 $0x230, s11  }
0x83: {  	[tilespmem:s14], [sflag:$0x2] =	stream.indirect.gather [hbm4b:s3+s8], $0x38, s15, s8, $0xb8;
	[tilespmem:$0xCB00] =	vst v63  }
0x84: {  	s16 =	rddreg [dreg:$0x5];
	s14 =	sadd.s32 $0x268, s11  }
0x85: {  	[tilespmem:s16], [sflag:$0x2] =	stream.indirect.gather [hbm4b:s3+s8], $0x38, s14, s8, $0xb8;
	[tilespmem:$0xCB00] =	vst v63  }
0x86: {  	s15 =	rddreg [dreg:$0x6];
	s16 =	sadd.s32 $0x2A0, s11  }
0x87: {  	[tilespmem:s15], [sflag:$0x2] =	stream.indirect.gather [hbm4b:s3+s8], $0x38, s16, s8, $0xb8;
	[tilespmem:$0xCB00] =	vst v63  }
0x88: {  	s13 =	rddreg [dreg:$0x7];
	s15 =	sadd.s32 $0x2D8, s11  }
0x89: {  	[tilespmem:s13], [sflag:$0x2] =	stream.indirect.gather [hbm4b:s3+s8], $0x38, s15, s8, $0xb8;
	[tilespmem:$0xCB00] =	vst v63  }
0x8a: {  	s16 =	rddreg [dreg:$0x8];
	s13 =	sadd.s32 $0x310, s11  }
0x8b: {  	[tilespmem:s16], [sflag:$0x2] =	stream.indirect.gather [hbm4b:s3+s8], $0x38, s13, s8, $0xb8;
	[tilespmem:$0xCB00] =	vst v63  }
0x8c: {  	s15 =	rddreg [dreg:$0x9];
	s11 =	sadd.s32 $0x348, s11  }
0x8d: {  	[tilespmem:s15], [sflag:$0x2] =	stream.indirect.gather [hbm4b:s3+s8], $0x38, s11, s8, $0xb8;
	[tilespmem:$0xCB00] =	vst v63  }
0x8e: {  	_ =	swait.ge [sflag:s25], $0xAF0  }
0x8f: {  	[sflag:s25] =	ssyncset.done $0x0  }
0x90: {  	[sflag:s25] =	ssyncadd.s32 $0xFFFFF510  }
0x91: {  	_ =	swait.ge [sflag:s25], $0xAF0  }
0x92: {  	[sflag:s25] =	ssyncset.done $0x0  }
0x93: {  	[sflag:s25] =	ssyncadd.s32 $0xFFFFF510  }
0x94: {  	_ =	swait.ge [sflag:s25], $0xAF0  }
0x95: {  	[sflag:s25] =	ssyncset.done $0x0  }
0x96: {  	[sflag:s25] =	ssyncadd.s32 $0xFFFFF510  }
0x97: {  	_ =	swait.ge [sflag:s25], $0xAF0  }
0x98: {  	[sflag:s25] =	ssyncset.done $0x0  }
0x99: {  	[sflag:s25] =	ssyncadd.s32 $0xFFFFF510  }
0x9a: {  	_ =	swait.ge [sflag:s25], $0xAF0  }
0x9b: {  	[sflag:s25] =	ssyncset.done $0x0  }
0x9c: {  	[sflag:s25] =	ssyncadd.s32 $0xFFFFF510  }
0x9d: {  	_ =	swait.ge [sflag:s25], $0xAF0  }
0x9e: {  	[sflag:s25] =	ssyncset.done $0x0  }
0x9f: {  	[sflag:s25] =	ssyncadd.s32 $0xFFFFF510  }
0xa0: {  	_ =	swait.ge [sflag:s25], $0xAF0  }
0xa1: {  	[sflag:s25] =	ssyncset.done $0x0  }
0xa2: {  	[sflag:s25] =	ssyncadd.s32 $0xFFFFF510  }
0xa3: {  	_ =	swait.ge [sflag:s25], $0xAF0  }
0xa4: {  	[sflag:s25] =	ssyncset.done $0x0  }
0xa5: {  	[sflag:s25] =	ssyncadd.s32 $0xFFFFF510  }
0xa6: {  	[hbm4b:s31+s2] =	stream.linear.scatter [tilespmem:s9], [sflag:$0x3], $0x5780, $0x38;
	[tilespmem:$0xCB00] =	vst v63  }
0xa7: {  	_ =	swait.ge [sflag:s26], $0xAF0  }
0xa8: {  	[sflag:s26] =	ssyncset.done $0x0  }
0xa9: {  	[sflag:s26] =	ssyncadd.s32 $0xFFFFF510  }
0xaa: {  	_ =	swait.ge [sflag:s26], $0xAF0  }
0xab: {  	[sflag:s26] =	ssyncset.done $0x0  }
0xac: {  	[sflag:s26] =	ssyncadd.s32 $0xFFFFF510  }
0xad: {  	_ =	swait.ge [sflag:s26], $0xAF0  }
0xae: {  	[sflag:s26] =	ssyncset.done $0x0  }
0xaf: {  	[sflag:s26] =	ssyncadd.s32 $0xFFFFF510  }
0xb0: {  	_ =	swait.ge [sflag:s26], $0xAF0  }
0xb1: {  	[sflag:s26] =	ssyncset.done $0x0  }
0xb2: {  	[sflag:s26] =	ssyncadd.s32 $0xFFFFF510  }
0xb3: {  	_ =	swait.ge [sflag:s26], $0xAF0  }
0xb4: {  	[sflag:s26] =	ssyncset.done $0x0  }
0xb5: {  	[sflag:s26] =	ssyncadd.s32 $0xFFFFF510  }
0xb6: {  	_ =	swait.ge [sflag:s26], $0xAF0  }
0xb7: {  	[sflag:s26] =	ssyncset.done $0x0  }
0xb8: {  	[sflag:s26] =	ssyncadd.s32 $0xFFFFF510  }
0xb9: {  	_ =	swait.ge [sflag:s26], $0xAF0  }
0xba: {  	[sflag:s26] =	ssyncset.done $0x0  }
0xbb: {  	[sflag:s26] =	ssyncadd.s32 $0xFFFFF510  }
0xbc: {  	_ =	swait.ge [sflag:s26], $0xAF0  }
0xbd: {  	[sflag:s26] =	ssyncset.done $0x0  }
0xbe: {  	p1 =	seq.s32 s1, $0x6200;
	[sflag:s26] =	ssyncadd.s32 $0xFFFFF510  }
0xbf: {  	s1 =	sshra.s32 @!p1 s1, $0x2;
	_ =	swait.ge [sflag:s28], $0x5780  }
0xc0: {  	s12 =	sadd.s32 @!p1 $0x380, s1;
	[sflag:s28] =	ssyncset.done $0x0  }
0xc1: {  	s13 =	simm.s32 @!p1 $0x32;
	s11 =	simm.s32 @!p1 $0x1C00;
	[sflag:s28] =	ssyncadd.s32 $0xFFFFA880  }
0xc2: {  	[tilespmem:s11], [sflag:$0x1] =	stream.indirect.gather @!p1 [hbm4b:s3+s13], $0x38, s12, s13, $0xb8;
	[tilespmem:$0xCB00] =	vst v63  }
0xc3: {  	s11 =	sadd.s32 @!p1 $0x3B8, s1;
	s12 =	simm.s32 @!p1 $0x26F0  }
0xc4: {  	[tilespmem:s12], [sflag:$0x1] =	stream.indirect.gather @!p1 [hbm4b:s3+s13], $0x38, s11, s13, $0xb8;
	[tilespmem:$0xCB00] =	vst v63  }
0xc5: {  	s10 =	smov.u32 s0;
	s14 =	sadd.s32 @!p1 $0x3F0, s1;
	s11 =	simm.s32 @!p1 $0x31E0  }
0xc6: {  	[tilespmem:s11], [sflag:$0x1] =	stream.indirect.gather @!p1 [hbm4b:s3+s13], $0x38, s14, s13, $0xb8;
	[tilespmem:$0xCB00] =	vst v63  }
0xc7: {  	s16 =	sadd.s32 @!p1 $0x4D0, s1;
	s12 =	sadd.s32 @!p1 $0x428, s1;
	s11 =	simm.s32 @!p1 $0x3CD0  }
0xc8: {  	[tilespmem:s11], [sflag:$0x1] =	stream.indirect.gather @!p1 [hbm4b:s3+s13], $0x38, s12, s13, $0xb8;
	[tilespmem:$0xCB00] =	vst v63  }
0xc9: {  	s15 =	sadd.s32 @!p1 $0x460, s1;
	s14 =	sadd.s32 @!p1 $0x498, s1;
	s11 =	simm.s32 @!p1 $0x47C0  }
0xca: {  	[tilespmem:s11], [sflag:$0x1] =	stream.indirect.gather @!p1 [hbm4b:s3+s13], $0x38, s15, s13, $0xb8;
	[tilespmem:$0xCB00] =	vst v63  }
0xcb: {  	s12 =	sadd.s32 @!p1 $0x508, s1;
	s1 =	smov.u32 s10;
	s10 =	simm.s32 @!p1 $0x52B0  }
0xcc: {  	[tilespmem:s10], [sflag:$0x1] =	stream.indirect.gather @!p1 [hbm4b:s3+s13], $0x38, s14, s13, $0xb8;
	[tilespmem:$0xCB00] =	vst v63  }
0xcd: {  	s0 =	sadd.s32 $0xE00, s0;
	s10 =	simm.s32 @!p1 $0x5DA0  }
0xce: {  	[tilespmem:s10], [sflag:$0x1] =	stream.indirect.gather @!p1 [hbm4b:s3+s13], $0x38, s16, s13, $0xb8;
	[tilespmem:$0xCB00] =	vst v63  }
0xcf: {  	p0 =	sne.s32 s0, $0x7000;
	s10 =	simm.s32 @!p1 $0x6890  }
0xd0: {  	[tilespmem:s10], [sflag:$0x1] =	stream.indirect.gather @!p1 [hbm4b:s3+s13], $0x38, s12, s13, $0xb8;
	[tilespmem:$0xCB00] =	vst v63  }
.Ltmp0:
0xd1: {  	_ = 	snop;
	(pc) =	sbr.rel @p0 .LBB2_2-.Ltmp0, $4  }
0xd2: {  	s16 =	sadd.s32 $0xAF0, s31  }
0xd3: {  	[hbm4b:s16+s2] =	stream.linear.scatter [tilespmem:s24], [sflag:$0x4], $0x5780, $0x38;
	[tilespmem:$0xCB00] =	vst v63  }
0xd4: {  	_ =	swait.ge [sflag:s29], $0x5780  }
0xd5: {  	s31 =	sadd.s32 $0x15E0, s31;
	[sflag:s29] =	ssyncset.done $0x0  }
0xd6: {  	s0 =	sshra.s32 s1, $0x2  }
0xd7: {  	[sflag:s29] =	ssyncadd.s32 $0xFFFFA880;
	s10 =	sadd.s32 $0x1C0, s0  }
0xd8: {  	[tilespmem:s24], [sflag:$0x2] =	stream.indirect.gather [hbm4b:s3+s8], $0x38, s10, s8, $0xb8;
	[tilespmem:$0xCB00] =	vst v63  }
0xd9: {  	s11 =	rddreg [dreg:$0x3];
	s14 =	sadd.s32 $0x1F8, s0  }
0xda: {  	[tilespmem:s11], [sflag:$0x2] =	stream.indirect.gather [hbm4b:s3+s8], $0x38, s14, s8, $0xb8;
	[tilespmem:$0xCB00] =	vst v63  }
0xdb: {  	s12 =	rddreg [dreg:$0x4];
	s15 =	sadd.s32 $0x230, s0  }
0xdc: {  	[tilespmem:s12], [sflag:$0x2] =	stream.indirect.gather [hbm4b:s3+s8], $0x38, s15, s8, $0xb8;
	[tilespmem:$0xCB00] =	vst v63  }
0xdd: {  	s16 =	rddreg [dreg:$0x5];
	s13 =	sadd.s32 $0x268, s0  }
0xde: {  	[tilespmem:s16], [sflag:$0x2] =	stream.indirect.gather [hbm4b:s3+s8], $0x38, s13, s8, $0xb8;
	[tilespmem:$0xCB00] =	vst v63  }
0xdf: {  	s14 =	rddreg [dreg:$0x6];
	s15 =	sadd.s32 $0x2A0, s0  }
0xe0: {  	[tilespmem:s14], [sflag:$0x2] =	stream.indirect.gather [hbm4b:s3+s8], $0x38, s15, s8, $0xb8;
	[tilespmem:$0xCB00] =	vst v63  }
0xe1: {  	s16 =	rddreg [dreg:$0x7];
	s13 =	sadd.s32 $0x2D8, s0  }
0xe2: {  	[tilespmem:s16], [sflag:$0x2] =	stream.indirect.gather [hbm4b:s3+s8], $0x38, s13, s8, $0xb8;
	[tilespmem:$0xCB00] =	vst v63  }
0xe3: {  	s14 =	rddreg [dreg:$0x8];
	s15 =	sadd.s32 $0x310, s0  }
0xe4: {  	[tilespmem:s14], [sflag:$0x2] =	stream.indirect.gather [hbm4b:s3+s8], $0x38, s15, s8, $0xb8;
	[tilespmem:$0xCB00] =	vst v63  }
0xe5: {  	s0 =	sadd.s32 $0x348, s0;
	s16 =	rddreg [dreg:$0x9]  }
0xe6: {  	[tilespmem:s16], [sflag:$0x2] =	stream.indirect.gather [hbm4b:s3+s8], $0x38, s0, s8, $0xb8;
	[tilespmem:$0xCB00] =	vst v63  }
0xe7: {  	_ =	swait.ge [sflag:s25], $0xAF0  }
0xe8: {  	[sflag:s25] =	ssyncset.done $0x0  }
0xe9: {  	[sflag:s25] =	ssyncadd.s32 $0xFFFFF510  }
0xea: {  	_ =	swait.ge [sflag:s25], $0xAF0  }
0xeb: {  	[sflag:s25] =	ssyncset.done $0x0  }
0xec: {  	[sflag:s25] =	ssyncadd.s32 $0xFFFFF510  }
0xed: {  	_ =	swait.ge [sflag:s25], $0xAF0  }
0xee: {  	[sflag:s25] =	ssyncset.done $0x0  }
0xef: {  	[sflag:s25] =	ssyncadd.s32 $0xFFFFF510  }
0xf0: {  	_ =	swait.ge [sflag:s25], $0xAF0  }
0xf1: {  	[sflag:s25] =	ssyncset.done $0x0  }
0xf2: {  	[sflag:s25] =	ssyncadd.s32 $0xFFFFF510  }
0xf3: {  	_ =	swait.ge [sflag:s25], $0xAF0  }
0xf4: {  	[sflag:s25] =	ssyncset.done $0x0  }
0xf5: {  	[sflag:s25] =	ssyncadd.s32 $0xFFFFF510  }
0xf6: {  	_ =	swait.ge [sflag:s25], $0xAF0  }
0xf7: {  	[sflag:s25] =	ssyncset.done $0x0  }
0xf8: {  	[sflag:s25] =	ssyncadd.s32 $0xFFFFF510  }
0xf9: {  	_ =	swait.ge [sflag:s25], $0xAF0  }
0xfa: {  	[sflag:s25] =	ssyncset.done $0x0  }
0xfb: {  	[sflag:s25] =	ssyncadd.s32 $0xFFFFF510  }
0xfc: {  	_ =	swait.ge [sflag:s25], $0xAF0  }
0xfd: {  	[sflag:s25] =	ssyncset.done $0x0  }
0xfe: {  	[sflag:s25] =	ssyncadd.s32 $0xFFFFF510  }
0xff: {  	[hbm4b:s31+s2] =	stream.linear.scatter [tilespmem:s9], [sflag:$0x3], $0x5780, $0x38;
	[tilespmem:$0xCB00] =	vst v63  }
0x100: {  	_ =	swait.ge [sflag:s26], $0xAF0  }
0x101: {  	[sflag:s26] =	ssyncset.done $0x0  }
0x102: {  	[sflag:s26] =	ssyncadd.s32 $0xFFFFF510  }
0x103: {  	_ =	swait.ge [sflag:s26], $0xAF0  }
0x104: {  	[sflag:s26] =	ssyncset.done $0x0  }
0x105: {  	[sflag:s26] =	ssyncadd.s32 $0xFFFFF510  }
0x106: {  	_ =	swait.ge [sflag:s26], $0xAF0  }
0x107: {  	[sflag:s26] =	ssyncset.done $0x0  }
0x108: {  	[sflag:s26] =	ssyncadd.s32 $0xFFFFF510  }
0x109: {  	_ =	swait.ge [sflag:s26], $0xAF0  }
0x10a: {  	[sflag:s26] =	ssyncset.done $0x0  }
0x10b: {  	[sflag:s26] =	ssyncadd.s32 $0xFFFFF510  }
0x10c: {  	_ =	swait.ge [sflag:s26], $0xAF0  }
0x10d: {  	[sflag:s26] =	ssyncset.done $0x0  }
0x10e: {  	[sflag:s26] =	ssyncadd.s32 $0xFFFFF510  }
0x10f: {  	_ =	swait.ge [sflag:s26], $0xAF0  }
0x110: {  	[sflag:s26] =	ssyncset.done $0x0  }
0x111: {  	[sflag:s26] =	ssyncadd.s32 $0xFFFFF510  }
0x112: {  	_ =	swait.ge [sflag:s26], $0xAF0  }
0x113: {  	[sflag:s26] =	ssyncset.done $0x0  }
0x114: {  	[sflag:s26] =	ssyncadd.s32 $0xFFFFF510  }
0x115: {  	_ =	swait.ge [sflag:s26], $0xAF0  }
0x116: {  	[sflag:s26] =	ssyncset.done $0x0  }
0x117: {  	[sflag:s26] =	ssyncadd.s32 $0xFFFFF510  }
0x118: {  	p0 =	seq.s32 s1, $0x6200;
	_ =	swait.ge [sflag:s28], $0x5780  }
0x119: {  	s11 =	simm.s32 @!p0 $0x32;
	s0 =	sshra.s32 @!p0 s1, $0x2;
	[sflag:s28] =	ssyncset.done $0x0  }
0x11a: {  	s1 =	simm.s32 @!p0 $0x1C00;
	s10 =	sadd.s32 @!p0 $0x380, s0;
	[sflag:s28] =	ssyncadd.s32 $0xFFFFA880  }
0x11b: {  	[tilespmem:s1], [sflag:$0x1] =	stream.indirect.gather @!p0 [hbm4b:s3+s11], $0x38, s10, s11, $0xb8;
	[tilespmem:$0xCB00] =	vst v63  }
0x11c: {  	s1 =	sadd.s32 @!p0 $0x3B8, s0;
	s10 =	simm.s32 @!p0 $0x26F0  }
0x11d: {  	[tilespmem:s10], [sflag:$0x1] =	stream.indirect.gather @!p0 [hbm4b:s3+s11], $0x38, s1, s11, $0xb8;
	[tilespmem:$0xCB00] =	vst v63  }
0x11e: {  	s1 =	sadd.s32 @!p0 $0x3F0, s0;
	s10 =	simm.s32 @!p0 $0x31E0  }
0x11f: {  	[tilespmem:s10], [sflag:$0x1] =	stream.indirect.gather @!p0 [hbm4b:s3+s11], $0x38, s1, s11, $0xb8;
	[tilespmem:$0xCB00] =	vst v63  }
0x120: {  	s1 =	sadd.s32 @!p0 $0x428, s0;
	s10 =	simm.s32 @!p0 $0x3CD0  }
0x121: {  	[tilespmem:s10], [sflag:$0x1] =	stream.indirect.gather @!p0 [hbm4b:s3+s11], $0x38, s1, s11, $0xb8;
	[tilespmem:$0xCB00] =	vst v63  }
0x122: {  	s1 =	sadd.s32 @!p0 $0x460, s0;
	s10 =	simm.s32 @!p0 $0x47C0  }
0x123: {  	[tilespmem:s10], [sflag:$0x1] =	stream.indirect.gather @!p0 [hbm4b:s3+s11], $0x38, s1, s11, $0xb8;
	[tilespmem:$0xCB00] =	vst v63  }
0x124: {  	s1 =	sadd.s32 @!p0 $0x498, s0;
	s10 =	simm.s32 @!p0 $0x52B0  }
0x125: {  	[tilespmem:s10], [sflag:$0x1] =	stream.indirect.gather @!p0 [hbm4b:s3+s11], $0x38, s1, s11, $0xb8;
	[tilespmem:$0xCB00] =	vst v63  }
0x126: {  	s1 =	sadd.s32 @!p0 $0x4D0, s0;
	s10 =	simm.s32 @!p0 $0x5DA0  }
0x127: {  	[tilespmem:s10], [sflag:$0x1] =	stream.indirect.gather @!p0 [hbm4b:s3+s11], $0x38, s1, s11, $0xb8;
	[tilespmem:$0xCB00] =	vst v63  }
0x128: {  	s30 =	sadd.s32 $0x1, s30;
	s0 =	sadd.s32 @!p0 $0x508, s0;
	s1 =	simm.s32 @!p0 $0x6890  }
0x129: {  	[tilespmem:s1], [sflag:$0x1] =	stream.indirect.gather @!p0 [hbm4b:s3+s11], $0x38, s0, s11, $0xb8;
	[tilespmem:$0xCB00] =	vst v63  }
0x12a: {  	p0 =	sne.s32 s30, s5  }
.Ltmp1:
0x12b: {  	s31 =	sadd.s32 $0xAF0, s31;
	(pc) =	sbr.rel @p0 .LBB2_1-.Ltmp1, $4  }
0x12c: {  	[hbm4b:s31+s2] =	stream.linear.scatter [tilespmem:s24], [sflag:$0x4], $0x5780, $0x38;
	[tilespmem:$0xCB00] =	vst v63  }
0x12d: {  	_ =	swait.ge [sflag:s29], $0x5780  }
0x12e: {  	[sflag:s29] =	ssyncset.done $0x0  }
0x12f: {  	[sflag:s29] =	ssyncadd.s32 $0xFFFFA880  }
0x130: {  	_ =	sfence.sel $0x180000  }
0x131: {  	[bflag:$0x0] =	sbarrier.arrive $0xFFFF  }
0x132: {  	_ =	strace $0x90000047  }
0x133: {  	s0 =	stileid.u32;
	[bflag:$0x2] =	sbarrier.arrive $0xFFFF  }
0x134: {  	p0 =	sne.s32 s0, $0x0;
	s0 =	rddreg [dreg:$0x2]  }
0x135: {  	s0 =	sadd.s32 @!p0 $0x100000, s0  }
0x136: {  	[sflag:s0] =	ssyncadd.tile.s32 @!p0 $0x1;
	_ =	shalt  }
.Lfunc_end2:
_tile_overlayer_lowered:
.L_overlay_start_2:
0x137: {  	(tag) =	ssettag $0x2  }
0x138: {  	s0 =	rddreg [dreg:$0x0];
	s2 =	stileid.u32  }
0x139: {  	s1 =	rddreg [dreg:$0x1];
	p0 =	sne.s32 s2, $0x0  }
0x13a: {  	s3 =	rddreg [dreg:$0x2];
	[bflag:$0x3] =	sbarrier.arrive $0xFFFF;
	s2 =	simm.s32 @!p0 $0x1C05  }
0x13b: {  	[timem:s3], [sflag:s2] =	dma.local @!p0 [hbm:s0], s1  }
0x13c: {  	s0 =	simm.s32 @!p0 $0x5  }
0x13d: {  	_ =	swait.ge @!p0 [sflag:s0], s1  }
0x13e: {  	s1 =	ssub.s32 @!p0 $0x0, s1;
	[sflag:s0] =	ssyncset.done @!p0 $0x0  }
0x13f: {  	[sflag:s0] =	ssyncadd.s32 @!p0 s1  }
0x140: {  	[bflag:$0x3] =	sbarrier.arrive $0xFFFF  }
0x141: {  	_ =	shalt  }

// kernel: sparse-core-data-format-call.cloned.1.call-start
scs
called_computation_lowered:
.L_overlay_start_0:
0x0: {  	s2 =	sld [smem:$0x3FD9]  }
0x1: {  	s3 =	sld [smem:$0x3FFE];
	_ =	sdelay $0x1  }
0x2: {  	s1 =	srdreg.scid  }
0x3: {  	s0 =	sand.u32 $0x1, s1  }
0x4: {  	s18 =	sshll.u32 s0, $0xA;
	s2 =	sadd.s32 s3, s2  }
0x5: {  	s2 =	sadd.s32 s2, s18  }
0x6: {  	[smem:$0x3FC6] =	sst s2  }
0x7: {  	_ = 	snop  }
0x8: {  	s2 =	sld [smem:$0x3FD0];
	(tm) =	ssettm $0x1  }
0x9: {  	s19 =	sld [smem:$0x3FFB];
	_ =	sdelay $0x3  }
0xa: {  	_ =	strace s19  }
0xb: {  	s3 =	sld [smem:$0x3FFC];
	_ =	sdelay $0x3  }
0xc: {  	_ =	strace s3  }
0xd: {  	s3 =	sld [smem:$0x3FFD];
	_ =	sdelay $0x3  }
0xe: {  	_ =	strace s3  }
0xf: {  	_ =	strace $0x8FFFFFFF  }
0x10: {  	s20 =	sld [smem:$0x3FDB];
	_ =	sdelay $0x1  }
0x11: {  	s4 =	simm.s32 $_scs_section_size  }
0x12: {  	s5 =	simm.s32 $_size__tile_overlayer_lowered;
	s6 =	simm.s32 $_tile_overlayer_lowered  }
0x13: {  	s23 =	simm.s32 $0x1BFF;
	s22 =	sshll.u32 s6, $0x1;
	s3 =	sadd.s32 s4, s20  }
0x14: {  	s7 =	simm.s32 $0x0;
	s21 =	sshll.u32 s5, $0x1;
	s5 =	sadd.s32 s22, s3  }
0x15: {  	[timem:s7], [sflag:s23] =	dma.local [hbm:s5], s21  }
0x16: {  	_ =	swait.ge [sflag:s23], s21  }
0x17: {  	s4 =	ssub.s32 $0x0, s21;
	[sflag:s23] =	ssyncset.done $0x0  }
0x18: {  	[sflag:s23] =	ssyncadd.s32 s4;
	_ =	sdelay $0x1  }
0x19: {  	s24 =	simm.s32 $0x1B8B  }
0x1a: {  	_ =	swait.ge [sflag:s24], $0x1  }
0x1b: {  	[sflag:s24] =	ssyncset.done $0x0  }
0x1c: {  	s26 =	simm.s32 $0x1B8E;
	s25 =	sld [smem:$0x3FFE];
	[sflag:s24] =	ssyncadd.s32 $0xFFFFFFFF  }
0x1d: {  	s27 =	simm.s32 $execute0_lowered;
	[smem:$0x3FD2] =	sst s26  }
0x1e: {  	s5 =	sshll.u32 s27, $0x1;
	_ =	strace $0x80000049;
	[dreg:$0x1] =	wrdreg $0xFFFFFFFF  }
0x1f: {  	s28 =	simm.s32 $_size_execute0_lowered;
	s3 =	sadd.s32 s3, s5;
	[dreg:$0x0] =	wrdreg $0x0  }
0x20: {  	s5 =	sshll.u32 s28, $0x1;
	[dreg:$0x2] =	wrdreg s3  }
0x21: {  	[dreg:$0x3] =	wrdreg s5  }
0x22: {  	[dreg:$0x4] =	wrdreg $0xC0  }
0x23: {  	_ =	task [dreg:s7], $0x5FFFF  }
0x24: {  	[dreg:$0x1] =	wrdreg $0xFFFFFFFF  }
0x25: {  	[dreg:$0x0] =	wrdreg $0x60  }
0x26: {  	[dreg:$0x2] =	wrdreg s25  }
0x27: {  	[dreg:$0x3] =	wrdreg s2  }
0x28: {  	[dreg:$0x4] =	wrdreg $0x9  }
0x29: {  	_ =	task.clear_ibuf [dreg:s7], $0x5FFFF;
	_ =	strace $0x90000049  }
0x2a: {  	s29 =	simm.s32 $0x9;
	_ =	strace $0x8000004B  }
0x2b: {  	_ =	swait.ge [sflag:s29], $0x1  }
0x2c: {  	[sflag:s29] =	ssyncadd.s32 $0xFFFFFFFF  }
0x2d: {  	_ =	strace $0x9000004B  }
0x2e: {  	_ =	sfence  }
0x2f: {  	s30 =	sld [smem:$0x0];
	_ =	sdelay $0x2  }
0x30: {  	s31 =	sshll.u32 s1, $0xD;
	s1 =	sshrl.u32 s1, $0x2  }
0x31: {  	s3 =	sand.u32 $0x4000, s31;
	s1 =	sadd.s32 s1, s30  }
0x32: {  	s0 =	sor.u32 s3, s0;
	s1 =	sshll.u32 s1, $0x11  }
0x33: {  	s0 =	sor.u32 s1, s0  }
0x34: {  	s0 =	sadd.s32 $0x8F2B, s0  }
0x35: {  	[sflag:s0] =	ssyncadd.remote.s32 $0x1  }
0x36: {  	_ =	sfence.sel $0xFFFF  }
0x37: {  	[dreg:$0x0] =	wrdreg $0xFFFFFFFF;
	(pc) =	sbr.abs _section_cstart, $3  }
0x38: {  	[dreg:$0x1] =	wrdreg $0xFFFFFFFF  }
0x39: {  	_ =	task.clear_ibuf [dreg:s7], $0x2FFFF;
	_ =	strace $0x9FFFFFFF  }
0x3a: {  	(tm) =	ssettm $0x7FFFFFFF  }
0x3b: {  	_ =	shalt  }
tec
execute0_lowered:
.L_overlay_start_1:
0x0: {  	(tag) =	ssettag $0x1  }
0x1: {  	s0 =	srdreg.scid  }
0x2: {  	s1 =	sshll.u32 s0, $0x4  }
0x3: {  	s6 =	rddreg [dreg:$0x0];
	s0 =	stileid.u32;
	s1 =	sand.u32 $0x10, s1  }
0x4: {  	s3 =	rddreg [dreg:$0x1];
	s1 =	sor.u32 s0, s1  }
0x5: {  	s5 =	simm.s32 $0x1;
	s31 =	simm.s32 $0x2;
	s2 =	sshll.u32 s1, $0x7  }
0x6: {  	s15 =	simm.s32 $0x0;
	s8 =	simm.s32 $0x8000;
	s4 =	ssub.s32 $0x1000, s2  }
0x7: {  	s14 =	simm.s32 $0x0;
	s9 =	simm.s32 $0x0;
	s30 =	sand.u32 $0xF80, s4  }
0x8: {  	s10 =	simm.s32 $0x0;
	s11 =	simm.s32 $0x0;
	p0 =	sne.s32 s30, $0x0  }
.Ltmp0:
0x9: {  	s7 =	sshrl.u32 s4, $0xC;
	s5 =	simm.s32 @!p0 $0x0;
	(pc) =	sbr.rel .LBB1_1-.Ltmp0, $4  }
0xa: {  	s13 =	simm.s32 $0x0;
	s1 =	rddreg [dreg:$0x2];
	s5 =	sadd.s32 s5, s7  }
0xb: {  	_ =	strace $0x8000004A;
	s4 =	simm.s32 $0x1;
	s5 =	smul.u32 $0x32, s5  }
0xc: {  	s6 =	sadd.s32 $0x800, s6;
	s12 =	smov.u32 s2;
	[sflag:s4] =	ssyncpa.u1 $0x0  }
0xd: {  	[sflag:s31] =	ssyncpa.u1 $0x0;
	p0 =	por $0x0, $0x0;
	s7 =	sor.u32 $0x1, s5  }
.LBB1_4:
0xe: {  	s18 =	sshll.u32 s10, $0x3  }
0xf: {  	p1 =	sgt.s32 s9, $0x31;
	s19 =	smov.u32 s9;
	s21 =	sshra.s32 s9, $0x1F  }
0x10: {  	s22 =	smov.u32 s10;
	s23 =	sshra.s32 s10, $0x1F;
	s25 =	sand.u32 $0x78, s10  }
0x11: {  	s27 =	smul.u32 $0x7000, s9;
	s28 =	sand.u32 $0x7, s10;
	s20 =	sshrl.u32 s18, $0xC  }
0x12: {  	s19 =	simm.s32 @!p1 $0x31;
	s21 =	sand.u32 s21, s9;
	p1 =	sgt.s32 s10, $0xF80  }
0x13: {  	s30 =	sand.u32 s23, s10;
	s18 =	sand.u32 $0xC00, s18;
	s19 =	ssub.s32 s19, s21  }
0x14: {  	s22 =	simm.s32 @!p1 $0xF80;
	s31 =	smulhi.u32 $0x4924925, s20;
	s24 =	ssub.s32 $0x32, s19  }
0x15: {  	s21 =	ssub.s32 s22, s30;
	s19 =	sadd.s32 $0xFFFFFFCF, s19;
	s24 =	smul.u32 $0x38, s24  }
0x16: {  	s23 =	smul.u32 $0x38, s31;
	p1 =	sgt.s32 s19, $0x0;
	s26 =	sadd.s32 $0xFFFFF080, s21  }
0x17: {  	s19 =	ssub.s32 $0x1000, s21;
	s24 =	simm.s32 @p1 $0x0;
	p1 =	sgt.s32 s26, $0x7F  }
0x18: {  	s18 =	sor.u32 s25, s18;
	s20 =	ssub.s32 s20, s23;
	s19 =	simm.s32 @p1 $0x0  }
0x19: {  	[tilespmem:s17+$0x810 ss:$0x81] =	vst.msk $0xffff, v2;
	s21 =	sadd.s32 s3, s27;
	s20 =	sshll.u32 s20, $0x9;
	s19 =	smul.u32 s19, s24  }
0x1a: {  	[tilespmem:s17+$0x1020 ss:$0x81] =	vst.msk $0xffff, v0;
	s29 =	sshll.u32 s28, $0x12;
	s18 =	sshrl.u32 s18, $0x3;
	s20 =	sadd.s32 s20, s21  }
0x1b: {  	[tilespmem:s17+$0x0 ss:$0x81] =	vst.msk $0xffff, v1;
	s31 =	sor.u32 $0x400, s29;
	s18 =	sadd.s32 s18, s20;
	s30 =	sand.u32 $0x3FFFFFF8, s19  }
0x1c: {  	[hbm4b:s18+s31] =	stream.strided.scatter [tilespmem:s16], [sflag:$0x2], s30, s8, s31, $0x20;
	[tilespmem:$0x8080] =	vst v63  }
.LBB1_5:
0x1d: {  	p1 =	slt.u32 s13, $0x2  }
0x1e: {  	s17 =	smov.u32 s15;
	p2 =	sgt.s32 @!p1 s15, $0x31;
	s16 =	sshra.s32 @!p1 s15, $0x1F  }
0x1f: {  	p3 =	sgt.s32 @!p1 s14, $0xF80;
	s18 =	sshra.s32 @!p1 s14, $0x1F;
	p2 =	por !p2, p1  }
0x20: {  	s15 =	sand.u32 @!p1 s16, s15;
	p3 =	por !p3, p1;
	s16 =	smov.u32 s14  }
0x21: {  	s14 =	sand.u32 @!p1 s18, s14;
	s17 =	simm.s32 @p2 $0x31;
	s16 =	simm.s32 @p3 $0xF80  }
0x22: {  	s18 =	smov.u32 s12;
	s15 =	ssub.s32 @!p1 s17, s15;
	s14 =	ssub.s32 @!p1 s16, s14  }
0x23: {  	s16 =	sadd.s32 @!p1 $0xFFFFFFCF, s15;
	s15 =	ssub.s32 @!p1 $0x32, s15;
	s17 =	sadd.s32 @!p1 $0xFFFFF080, s14  }
0x24: {  	p2 =	sgt.s32 @!p1 s16, $0x0;
	s15 =	smul.u32 @!p1 $0x38, s15;
	p3 =	sgt.s32 @!p1 s17, $0x7F  }
0x25: {  	s14 =	ssub.s32 @!p1 $0x1000, s14;
	p2 =	por !p2, p1;
	p3 =	por !p3, p1  }
0x26: {  	s16 =	sadd.s32 $0x1, s11;
	s15 =	simm.s32 @!p2 $0x0;
	s14 =	simm.s32 @!p3 $0x0  }
0x27: {  	p2 =	sgt.s32 s16, $0x31;
	s14 =	smul.u32 @!p1 s14, s15;
	s15 =	sadd.s32 $0x1000, s12  }
0x28: {  	s18 =	smov.u32 @p2 s15  }
0x29: {  	s16 =	simm.s32 @p2 $0x0;
	p2 =	sgt.s32 s18, $0xFFF  }
0x2a: {  	s18 =	smov.u32 @p2 s2;
	p2 =	sne.s32 s13, s7  }
.Ltmp1:
0x2b: {  	p0 =	por !p0, !p0;
	s17 =	simm.s32 @!p1 $0x2;
	(pc) =	sbr.rel @!p2 .LBB1_6-.Ltmp1, $4  }
0x2c: {  	s15 =	smov.u32 s9;
	s9 =	smov.u32 s11;
	s14 =	sand.u32 @!p1 $0x3FFFFFF8, s14  }
0x2d: {  	s11 =	smov.u32 s16;
	_ =	swait.ge @!p1 [sflag:s17], s14;
	s19 =	ssub.s32 @!p1 $0x0, s14  }
0x2e: {  	s14 =	smov.u32 s10;
	s13 =	sadd.s32 $0x1, s13;
	[sflag:s17] =	ssyncset.done @!p1 $0x0  }
0x2f: {  	s10 =	smov.u32 s12;
	s12 =	smov.u32 s18;
	[sflag:s17] =	ssyncadd.s32 @!p1 s19  }
.LBB1_1:
0x30: {  	p1 =	sge.u32 s13, s5  }
0x31: {  	s16 =	sand.u32 @!p1 $0x1FFFFFF, s11  }
0x32: {  	s17 =	smulhi.u32 @!p1 $0x4924925, s16;
	_ =	sdelay $0x1  }
0x33: {  	s17 =	smul.u32 @!p1 $0x38, s17  }
0x34: {  	s18 =	sxor.u32 @!p1 $0xFFFFFFFF, s13;
	s19 =	smul.u32 @!p1 $0x380, s12  }
0x35: {  	s31 =	sadd.s32 $0xFFFFFFFF, s13;
	s18 =	sshll.u32 @!p1 s18, $0xD;
	s16 =	ssub.s32 @!p1 s16, s17  }
0x36: {  	s17 =	sand.u32 @!p1 $0x2000, s18;
	s18 =	sadd.s32 @!p1 s6, s19;
	s16 =	sshll.u32 @!p1 s16, $0x4  }
0x37: {  	s19 =	simm.s32 @!p1 $0x1C00;
	s16 =	sadd.s32 @!p1 s16, s18;
	s18 =	simm.s32 @!p1 $0x40  }
0x38: {  	[tilespmem:s17], [sflag:$0x1] =	stream.strided.gather @!p1 [hbm4b:s16+s18], $0x2000, s19, s18, $0x38;
	[tilespmem:$0x8080] =	vst v63  }
0x39: {  	p1 =	sge.u32 s31, s5  }
.Ltmp2:
0x3a: {  	_ = 	snop;
	(pc) =	sbr.rel @p1 .LBB1_5-.Ltmp2, $1  }
0x3b: {  	_ =	sdelay $0x3  }
0x3c: {  	s16 =	simm.s32 $0x1  }
0x3d: {  	_ =	swait.ge [sflag:s4], $0x2000;
	s16 =	simm.s32 @!p0 $0x0  }
0x3e: {  	[sflag:s4] =	ssyncset.done $0x0;
	s17 =	sshll.u32 s16, $0xD  }
0x3f: {  	[sflag:s4] =	ssyncadd.s32 $0xFFFFE000;
	s20 =	sor.u32 $0x20, s17  }
0x40: {  	s16 =	smul.u32 $0x8100, s16;
	v3 =	vld [tilespmem:s20+$0x10]  }
0x41: {  	s30 =	sand.u32 $0x1, s13;
	v2 =	vld [tilespmem:s20+$0xFFFFFFF0]  }
0x42: {  	s17 =	smul.u32 $0x8100, s30;
	s16 =	sshrl.u32 s16, $0x2;
	v0 =	vld [tilespmem:s20+$0x0]  }
0x43: {  	v1 =	vld [tilespmem:s20+$0xFFFFFFE0];
	s18 =	sor.u32 $0x4000, s16  }
0x44: {  	s31 =	sshrl.u32 s17, $0x2;
	s17 =	sadd.s32 $0x0, s18  }
0x45: {  	s19 =	simm.s32 $0x4;
	s20 =	sadd.s32 $0x40, s20;
	s16 =	sor.u32 $0x4000, s31;
	[tilespmem:s17+$0x1830 ss:$0x81] =	vst.msk $0xffff, v3  }
.LBB1_3:
0x46: {  	v3 =	vld [tilespmem:s20+$0x10];
	p1 =	sne.s32 s19, $0x1FC;
	[tilespmem:s17+$0x810 ss:$0x81] =	vst.msk $0xffff, v2;
	s21 =	smov.u32 s19;
	s19 =	sadd.s32 $0x4, s19  }
.Ltmp3:
0x47: {  	v2 =	vld [tilespmem:s20+$0xFFFFFFF0];
	[tilespmem:s17+$0x1020 ss:$0x81] =	vst.msk $0xffff, v0;
	(pc) =	sbr.rel @p1 .LBB1_3-.Ltmp3, $4  }
0x48: {  	v0 =	vld [tilespmem:s20+$0x0];
	[tilespmem:s17+$0x0 ss:$0x81] =	vst.msk $0xffff, v1  }
0x49: {  	s17 =	sshra.s32 s21, $0x2;
	v1 =	vld [tilespmem:s20+$0xFFFFFFE0]  }
0x4a: {  	s17 =	sadd.s32 s17, s18  }
0x4b: {  	s20 =	sadd.s32 $0x40, s20;
	[tilespmem:s17+$0x1830 ss:$0x81] =	vst.msk $0xffff, v3  }
.Ltmp4:
0x4c: {  	_ = 	snop;
	(pc) =	sbr.rel .LBB1_4-.Ltmp4, $1  }
0x4d: {  	_ =	sdelay $0x3  }
.LBB1_6:
0x4e: {  	_ =	sfence.sel $0x180000  }
0x4f: {  	s2 =	simm.s32 $0x1;
	[bflag:$0x0] =	sbarrier.arrive $0xFFFF  }
0x50: {  	s31 =	simm.s32 $0x2;
	[sflag:s2] =	ssyncpa.u1 $0x1  }
0x51: {  	[sflag:s31] =	ssyncpa.u1 $0x1  }
0x52: {  	p0 =	sne.s32 s0, $0x0;
	_ =	strace $0x9000004A  }
0x53: {  	s0 =	sadd.s32 @!p0 $0x100000, s1;
	[bflag:$0x2] =	sbarrier.arrive $0xFFFF  }
0x54: {  	[sflag:s0] =	ssyncadd.tile.s32 @!p0 $0x1;
	_ =	shalt  }
.Lfunc_end1:
_tile_overlayer_lowered:
.L_overlay_start_2:
0x55: {  	(tag) =	ssettag $0x2  }
0x56: {  	s0 =	rddreg [dreg:$0x0];
	s2 =	stileid.u32  }
0x57: {  	s1 =	rddreg [dreg:$0x1];
	p0 =	sne.s32 s2, $0x0  }
0x58: {  	s3 =	rddreg [dreg:$0x2];
	[bflag:$0x3] =	sbarrier.arrive $0xFFFF;
	s2 =	simm.s32 @!p0 $0x1C01  }
0x59: {  	[timem:s3], [sflag:s2] =	dma.local @!p0 [hbm:s0], s1  }
0x5a: {  	s0 =	simm.s32 @!p0 $0x1  }
0x5b: {  	_ =	swait.ge @!p0 [sflag:s0], s1  }
0x5c: {  	s1 =	ssub.s32 @!p0 $0x0, s1;
	[sflag:s0] =	ssyncset.done @!p0 $0x0  }
0x5d: {  	[sflag:s0] =	ssyncadd.s32 @!p0 s1  }
0x5e: {  	[bflag:$0x3] =	sbarrier.arrive $0xFFFF  }
0x5f: {  	_ =	shalt  }

</sc_bundles>
